<compile_context>
chip_gen: v7x
topology: tpu7x:2x2x1
jax: 0.10.2.dev20260603
libtpu: 0.0.44.dev20260713+nightly
codegen_flags: <defaults>
</compile_context>

<pallas_src>
import functools

import numpy as np
import jax
import jax.numpy as jnp
from jax import lax
from jax.experimental import pallas as pl
from jax.experimental.pallas import tpu as pltpu
from jax.experimental.pallas import tpu_sc as plsc

B = 16
L = 2048
NSWAPS = 16
NLANE = 16
NCHUNK = L // NLANE

_RATE_THRESH = 838861

_KSEL = (0x6D3E048F, 0x1022172D)

_STEP_KEYS = np.array([
    [2350016172, 1168365246], [2853785955, 313133857],
    [1914800406, 1741898942], [1770995085, 4163859872],
    [3754419596, 3661185138], [3204329507, 4228560771],
    [3913626572, 2520847663], [693197797, 1495815361],
    [1520857337, 4010142990], [1324738421, 1302467950],
    [3365621314, 850623499], [1072820213, 609676677],
    [1929251373, 1353429927], [3071341656, 3338261538],
    [2142986927, 3449929434], [3353151872, 1789448280],
], dtype=np.uint32)

_R0 = (13, 15, 26, 6)
_R1 = (17, 29, 16, 24)


def _threefry2x32(k0, k1, x0, x1):
    ks2 = k0 ^ k1 ^ jnp.int32(0x1BD11BDA)
    ks = (k0, k1, ks2)
    x0 = x0 + k0
    x1 = x1 + k1
    for g in range(5):
        for r in (_R0 if g % 2 == 0 else _R1):
            x0 = x0 + x1
            x1 = lax.shift_left(x1, jnp.int32(r)) | lax.shift_right_logical(
                x1, jnp.int32(32 - r))
            x1 = x1 ^ x0
        x0 = x0 + ks[(g + 1) % 3]
        x1 = x1 + ks[(g + 2) % 3] + jnp.int32(g + 1)
    return x0, x1


def _bits32(k0, k1, lin):
    b0, b1 = _threefry2x32(k0, k1, jnp.zeros_like(lin), lin)
    return b0 ^ b1


def _lane_consts(vals):
    lanes = lax.iota(jnp.int32, NLANE)
    out = jnp.zeros((NLANE,), jnp.int32)
    for i, v in enumerate(vals):
        out = jnp.where(lanes == jnp.int32(i),
                        jnp.int32(np.uint32(v).astype(np.int32)), out)
    return out


def _sc_body(tokens_hbm, out_hbm, rowbuf, sem):
    wid = lax.axis_index("s")

    @pl.when(wid < B)
    def _():
        row = wid
        copy = pltpu.make_async_copy(tokens_hbm.at[row], rowbuf, sem)
        copy.start()

        lanes = lax.iota(jnp.int32, NLANE)
        ksel0 = jnp.int32(np.uint32(_KSEL[0]).astype(np.int32))
        ksel1 = jnp.int32(np.uint32(_KSEL[1]).astype(np.int32))

        def cond(carry):
            cnt, chunk = carry
            return (cnt < NSWAPS) & (chunk < NCHUNK)

        def body(carry):
            cnt, chunk = carry
            lin0 = row * jnp.int32(L) + chunk * jnp.int32(NLANE) + lanes
            lin1 = lin0 + jnp.int32(NLANE)
            bits0 = _bits32(ksel0, ksel1, lin0)
            bits1 = _bits32(ksel0, ksel1, lin1)
            bern = ((lax.shift_right_logical(bits0, jnp.int32(9))
                     < jnp.int32(_RATE_THRESH)).astype(jnp.int32)
                    + (lax.shift_right_logical(bits1, jnp.int32(9))
                       < jnp.int32(_RATE_THRESH)).astype(jnp.int32))
            return cnt + jnp.sum(bern), chunk + jnp.int32(2)

        cnt, _ = lax.while_loop(cond, body, (jnp.int32(0), jnp.int32(0)))
        num = jnp.minimum(cnt, jnp.int32(NSWAPS))

        k0v = _lane_consts(_STEP_KEYS[:, 0])
        k1v = _lane_consts(_STEP_KEYS[:, 1])
        i1 = _bits32(k0v, k1v, jnp.zeros((NLANE,), jnp.int32)
                     + jnp.int32(2) * row) & jnp.int32(L - 1)
        i2 = _bits32(k0v, k1v, jnp.zeros((NLANE,), jnp.int32)
                     + jnp.int32(2) * row + jnp.int32(1)) & jnp.int32(L - 1)
        active = lanes < num
        pos0 = jnp.where(active, i1, jnp.int32(0))
        pos1 = jnp.where(active, i2, jnp.int32(0))

        dnums = lax.GatherDimensionNumbers(
            offset_dims=(), collapsed_slice_dims=(0,), start_index_map=(0,))

        def pick(v, lane):
            splat = jnp.zeros((NLANE, 1), jnp.int32) + jnp.int32(lane)
            return lax.gather(v, splat, dnums, slice_sizes=(1,),
                              mode=lax.GatherScatterMode.PROMISE_IN_BOUNDS)

        cur0, cur1 = pos0, pos1
        for s in range(NSWAPS):
            p1 = pick(pos0, s)
            p2 = pick(pos1, s)
            a = pick(cur0, s)
            b = pick(cur1, s)
            cur0 = jnp.where(pos0 == p1, b, jnp.where(pos0 == p2, a, cur0))
            cur1 = jnp.where(pos1 == p1, b, jnp.where(pos1 == p2, a, cur1))

        copy.wait()

        v0 = plsc.load_gather(rowbuf, [cur0])
        v1v = plsc.load_gather(rowbuf, [cur1])
        plsc.store_scatter(rowbuf, [pos0], v0)
        plsc.store_scatter(rowbuf, [pos1], v1v)

        pltpu.sync_copy(rowbuf, out_hbm.at[row])


@functools.lru_cache(maxsize=1)
def _sc_kernel():
    mesh = plsc.VectorSubcoreMesh(core_axis_name="c", subcore_axis_name="s",
                                  num_cores=1)
    return pl.kernel(
        _sc_body,
        out_type=jax.ShapeDtypeStruct((B, L), jnp.int32),
        mesh=mesh,
        scratch_types=[
            pltpu.VMEM((L,), jnp.int32),
            pltpu.SemaphoreType.DMA,
        ],
        compiler_params=pltpu.CompilerParams(needs_layout_passes=False),
    )


def kernel(inputs):
    tokens = inputs
    return _sc_kernel()(tokens)

# --- scband reference (transcript-rebuilt; emitter-appended) ---
"""Pipeline reference for scband-random-swap-40578851013213 (READ-ONLY COPY).

The authoritative reference and input builder live on the scoring server;
editing this copy changes nothing except your own understanding.
"""

import jax, jax.numpy as jnp
import numpy as np

RATE = 0.1
MAX_SWAPS = 16
LAYER_SEED = 42


def setup_inputs(seed: int = 0) -> dict:
    key = jax.random.key(seed)
    tokens = jax.random.randint(key, (16, 2048), 0, 30000, dtype=jnp.int32)
    return {"inputs": tokens}


def reference(inputs):
    # RandomSwap.call with dense rank-2 int input, no skip_* options:
    #   - all positions are candidates (row_lengths == L)
    #   - num_to_select = min(Binomial(L, rate), max_swaps, L) per row
    #   - perform num_to_select random pairwise swaps per row
    tokens = inputs
    B, L = tokens.shape
    base = jax.random.key(LAYER_SEED)

    # Binomial(L, rate) realized as a sum of L Bernoulli(rate) draws per row.
    ksel = jax.random.fold_in(base, 0)
    bern = jax.random.uniform(ksel, (B, L)) < RATE
    num_to_select = jnp.minimum(jnp.sum(bern, axis=1).astype(jnp.int32), MAX_SWAPS)
    num_to_select = jnp.minimum(num_to_select, L)

    rows = jnp.arange(B)
    out = tokens
    # Static unrolled loop over max_swaps; each step is masked by whether the
    # row still has swaps remaining (s < num_to_select), mirroring the
    # per-row python loop in the TF implementation.
    for s in range(MAX_SWAPS):
        k = jax.random.fold_in(base, s + 1)
        idx = jax.random.randint(k, (B, 2), 0, L, dtype=jnp.int32)
        i1 = idx[:, 0]
        i2 = idx[:, 1]
        v1 = out[rows, i1]
        v2 = out[rows, i2]
        active = s < num_to_select
        new1 = jnp.where(active, v2, v1)
        new2 = jnp.where(active, v1, v2)
        out = out.at[rows, i1].set(new1)
        out = out.at[rows, i2].set(new2)
    return out

if __name__ == "__main__":
    import jax
    _d = setup_inputs()
    print(jax.jit(kernel)(*tuple(_d.values())))

</pallas_src>

<mosaic_0001>
#map = affine_map<(d0, d1) -> (0, 0)>
module attributes {stable_mosaic.version = 14 : i64} {
  func.func @_sc_body(%arg0: i32, %arg1: i32, %arg2: memref<16x2048xi32, #tpu.memory_space<hbm>>, %arg3: memref<16x2048xi32, #tpu.memory_space<hbm>>, %arg4: memref<2048xi32, #tpu.memory_space<vmem>>, %arg5: memref<!tpu.dma_semaphore, #tpu.memory_space<semaphore_mem>>) attributes {dimension_semantics = [#tpu.dimension_semantics<core_parallel>, #tpu.dimension_semantics<subcore_parallel>], iteration_bounds = array<i64: 1, 16>, scalar_prefetch = 0 : i64, scratch_operands = 2 : i64, tpu.core_type = #tpu.core_type<sc_vector_subcore>, window_params = [{transform_indices = #map}, {transform_indices = #map}]} {
    %lt3A = arith.constant 16 : i32
    %lt3A_0 = arith.cmpi slt, %arg1, %lt3A : i32
    %convert_element_type3A = arith.extui %lt3A_0 : i1 to i32
    %cond3A = arith.constant 0 : i32
    %cond3A_1 = arith.cmpi ne, %convert_element_type3A, %cond3A : i32
    scf.if %cond3A_1 {
      %dma_start3A = arith.constant 0 : i32
      %dma_start3A_2 = tpu.memref_slice %arg2[%arg1, %dma_start3A] : memref<16x2048xi32, #tpu.memory_space<hbm>> -> memref<1x2048xi32, #tpu.memory_space<hbm>>
      %dma_start3A_3 = tpu.memref_squeeze %dma_start3A_2 : memref<1x2048xi32, #tpu.memory_space<hbm>> -> memref<2048xi32, #tpu.memory_space<hbm>>
      %dma_start3A_4 = arith.constant 0 : i32
      %dma_start3A_5 = tpu.memref_slice %arg2[%arg1, %dma_start3A_4] : memref<16x2048xi32, #tpu.memory_space<hbm>> -> memref<1x2048xi32, #tpu.memory_space<hbm>>
      %dma_start3A_6 = tpu.memref_squeeze %dma_start3A_5 : memref<1x2048xi32, #tpu.memory_space<hbm>> -> memref<2048xi32, #tpu.memory_space<hbm>>
      tpu.enqueue_dma source(%dma_start3A_6 : memref<2048xi32, #tpu.memory_space<hbm>>) target(%arg4 : memref<2048xi32, #tpu.memory_space<vmem>>) target_semaphore(%arg5 : memref<!tpu.dma_semaphore, #tpu.memory_space<semaphore_mem>>)
      %iota3A = tpu.iota {dimensions = array<i32: 0>} : vector<16xi32>
      %while3A = arith.constant 1832780943 : i32
      %while3A_7 = arith.constant 270669613 : i32
      %while3A_8 = arith.constant 0 : i32
      %while3A_9 = arith.constant 0 : i32
      %while3A_10:2 = scf.while (%while3A_1238 = %while3A_8, %while3A_1239 = %while3A_9) : (i32, i32) -> (i32, i32) {
        %lt3A_1240 = arith.constant 16 : i32
        %lt3A_1241 = arith.cmpi slt, %while3A_1238, %lt3A_1240 : i32
        %lt3A_1242 = arith.constant 128 : i32
        %lt3A_1243 = arith.cmpi slt, %while3A_1239, %lt3A_1242 : i32
        %and3A_1244 = arith.andi %lt3A_1241, %lt3A_1243 : i1
        scf.condition(%and3A_1244) %while3A_1238, %while3A_1239 : i32, i32
      } do {
      ^bb0(%while3A_1238: i32, %while3A_1239: i32):
        %mul3A_1240 = arith.constant 2048 : i32
        %mul3A_1241 = arith.muli %arg1, %mul3A_1240 : i32
        %mul3A_1242 = arith.constant 16 : i32
        %mul3A_1243 = arith.muli %while3A_1239, %mul3A_1242 : i32
        %add3A_1244 = arith.addi %mul3A_1241, %mul3A_1243 : i32
        %add3A_1245 = vector.broadcast %add3A_1244 : i32 to vector<16xi32>
        %add3A_1246 = arith.addi %add3A_1245, %iota3A : vector<16xi32>
        %add3A_1247 = arith.constant 16 : i32
        %add3A_1248 = vector.broadcast %add3A_1247 : i32 to vector<16xi32>
        %add3A_1249 = arith.addi %add3A_1246, %add3A_1248 : vector<16xi32>
        %broadcast_in_dim3A_1250 = arith.constant 0 : i32
        %broadcast_in_dim3A_1251 = vector.broadcast %broadcast_in_dim3A_1250 : i32 to vector<16xi32>
        %xor3A_1252 = arith.xori %while3A, %while3A_7 : i32
        %xor3A_1253 = arith.constant 466688986 : i32
        %xor3A_1254 = arith.xori %xor3A_1252, %xor3A_1253 : i32
        %add3A_1255 = vector.broadcast %while3A : i32 to vector<16xi32>
        %add3A_1256 = arith.addi %broadcast_in_dim3A_1251, %add3A_1255 : vector<16xi32>
        %add3A_1257 = vector.broadcast %while3A_7 : i32 to vector<16xi32>
        %add3A_1258 = arith.addi %add3A_1246, %add3A_1257 : vector<16xi32>
        %add3A_1259 = arith.addi %add3A_1256, %add3A_1258 : vector<16xi32>
        %shift_left3A_1260 = arith.constant 13 : i32
        %shift_left3A_1261 = vector.broadcast %shift_left3A_1260 : i32 to vector<16xi32>
        %shift_left3A_1262 = arith.shli %add3A_1258, %shift_left3A_1261 : vector<16xi32>
        %shift_right_logical3A_1263 = arith.constant 19 : i32
        %shift_right_logical3A_1264 = vector.broadcast %shift_right_logical3A_1263 : i32 to vector<16xi32>
        %shift_right_logical3A_1265 = arith.shrui %add3A_1258, %shift_right_logical3A_1264 : vector<16xi32>
        %or3A_1266 = arith.ori %shift_left3A_1262, %shift_right_logical3A_1265 : vector<16xi32>
        %xor3A_1267 = arith.xori %or3A_1266, %add3A_1259 : vector<16xi32>
        %add3A_1268 = arith.addi %add3A_1259, %xor3A_1267 : vector<16xi32>
        %shift_left3A_1269 = arith.constant 15 : i32
        %shift_left3A_1270 = vector.broadcast %shift_left3A_1269 : i32 to vector<16xi32>
        %shift_left3A_1271 = arith.shli %xor3A_1267, %shift_left3A_1270 : vector<16xi32>
        %shift_right_logical3A_1272 = arith.constant 17 : i32
        %shift_right_logical3A_1273 = vector.broadcast %shift_right_logical3A_1272 : i32 to vector<16xi32>
        %shift_right_logical3A_1274 = arith.shrui %xor3A_1267, %shift_right_logical3A_1273 : vector<16xi32>
        %or3A_1275 = arith.ori %shift_left3A_1271, %shift_right_logical3A_1274 : vector<16xi32>
        %xor3A_1276 = arith.xori %or3A_1275, %add3A_1268 : vector<16xi32>
        %add3A_1277 = arith.addi %add3A_1268, %xor3A_1276 : vector<16xi32>
        %shift_left3A_1278 = arith.constant 26 : i32
        %shift_left3A_1279 = vector.broadcast %shift_left3A_1278 : i32 to vector<16xi32>
        %shift_left3A_1280 = arith.shli %xor3A_1276, %shift_left3A_1279 : vector<16xi32>
        %shift_right_logical3A_1281 = arith.constant 6 : i32
        %shift_right_logical3A_1282 = vector.broadcast %shift_right_logical3A_1281 : i32 to vector<16xi32>
        %shift_right_logical3A_1283 = arith.shrui %xor3A_1276, %shift_right_logical3A_1282 : vector<16xi32>
        %or3A_1284 = arith.ori %shift_left3A_1280, %shift_right_logical3A_1283 : vector<16xi32>
        %xor3A_1285 = arith.xori %or3A_1284, %add3A_1277 : vector<16xi32>
        %add3A_1286 = arith.addi %add3A_1277, %xor3A_1285 : vector<16xi32>
        %shift_left3A_1287 = arith.constant 6 : i32
        %shift_left3A_1288 = vector.broadcast %shift_left3A_1287 : i32 to vector<16xi32>
        %shift_left3A_1289 = arith.shli %xor3A_1285, %shift_left3A_1288 : vector<16xi32>
        %shift_right_logical3A_1290 = arith.constant 26 : i32
        %shift_right_logical3A_1291 = vector.broadcast %shift_right_logical3A_1290 : i32 to vector<16xi32>
        %shift_right_logical3A_1292 = arith.shrui %xor3A_1285, %shift_right_logical3A_1291 : vector<16xi32>
        %or3A_1293 = arith.ori %shift_left3A_1289, %shift_right_logical3A_1292 : vector<16xi32>
        %xor3A_1294 = arith.xori %or3A_1293, %add3A_1286 : vector<16xi32>
        %add3A_1295 = vector.broadcast %while3A_7 : i32 to vector<16xi32>
        %add3A_1296 = arith.addi %add3A_1286, %add3A_1295 : vector<16xi32>
        %add3A_1297 = vector.broadcast %xor3A_1254 : i32 to vector<16xi32>
        %add3A_1298 = arith.addi %xor3A_1294, %add3A_1297 : vector<16xi32>
        %add3A_1299 = arith.constant 1 : i32
        %add3A_1300 = vector.broadcast %add3A_1299 : i32 to vector<16xi32>
        %add3A_1301 = arith.addi %add3A_1298, %add3A_1300 : vector<16xi32>
        %add3A_1302 = arith.addi %add3A_1296, %add3A_1301 : vector<16xi32>
        %shift_left3A_1303 = arith.constant 17 : i32
        %shift_left3A_1304 = vector.broadcast %shift_left3A_1303 : i32 to vector<16xi32>
        %shift_left3A_1305 = arith.shli %add3A_1301, %shift_left3A_1304 : vector<16xi32>
        %shift_right_logical3A_1306 = arith.constant 15 : i32
        %shift_right_logical3A_1307 = vector.broadcast %shift_right_logical3A_1306 : i32 to vector<16xi32>
        %shift_right_logical3A_1308 = arith.shrui %add3A_1301, %shift_right_logical3A_1307 : vector<16xi32>
        %or3A_1309 = arith.ori %shift_left3A_1305, %shift_right_logical3A_1308 : vector<16xi32>
        %xor3A_1310 = arith.xori %or3A_1309, %add3A_1302 : vector<16xi32>
        %add3A_1311 = arith.addi %add3A_1302, %xor3A_1310 : vector<16xi32>
        %shift_left3A_1312 = arith.constant 29 : i32
        %shift_left3A_1313 = vector.broadcast %shift_left3A_1312 : i32 to vector<16xi32>
        %shift_left3A_1314 = arith.shli %xor3A_1310, %shift_left3A_1313 : vector<16xi32>
        %shift_right_logical3A_1315 = arith.constant 3 : i32
        %shift_right_logical3A_1316 = vector.broadcast %shift_right_logical3A_1315 : i32 to vector<16xi32>
        %shift_right_logical3A_1317 = arith.shrui %xor3A_1310, %shift_right_logical3A_1316 : vector<16xi32>
        %or3A_1318 = arith.ori %shift_left3A_1314, %shift_right_logical3A_1317 : vector<16xi32>
        %xor3A_1319 = arith.xori %or3A_1318, %add3A_1311 : vector<16xi32>
        %add3A_1320 = arith.addi %add3A_1311, %xor3A_1319 : vector<16xi32>
        %shift_left3A_1321 = arith.constant 16 : i32
        %shift_left3A_1322 = vector.broadcast %shift_left3A_1321 : i32 to vector<16xi32>
        %shift_left3A_1323 = arith.shli %xor3A_1319, %shift_left3A_1322 : vector<16xi32>
        %shift_right_logical3A_1324 = arith.constant 16 : i32
        %shift_right_logical3A_1325 = vector.broadcast %shift_right_logical3A_1324 : i32 to vector<16xi32>
        %shift_right_logical3A_1326 = arith.shrui %xor3A_1319, %shift_right_logical3A_1325 : vector<16xi32>
        %or3A_1327 = arith.ori %shift_left3A_1323, %shift_right_logical3A_1326 : vector<16xi32>
        %xor3A_1328 = arith.xori %or3A_1327, %add3A_1320 : vector<16xi32>
        %add3A_1329 = arith.addi %add3A_1320, %xor3A_1328 : vector<16xi32>
        %shift_left3A_1330 = arith.constant 24 : i32
        %shift_left3A_1331 = vector.broadcast %shift_left3A_1330 : i32 to vector<16xi32>
        %shift_left3A_1332 = arith.shli %xor3A_1328, %shift_left3A_1331 : vector<16xi32>
        %shift_right_logical3A_1333 = arith.constant 8 : i32
        %shift_right_logical3A_1334 = vector.broadcast %shift_right_logical3A_1333 : i32 to vector<16xi32>
        %shift_right_logical3A_1335 = arith.shrui %xor3A_1328, %shift_right_logical3A_1334 : vector<16xi32>
        %or3A_1336 = arith.ori %shift_left3A_1332, %shift_right_logical3A_1335 : vector<16xi32>
        %xor3A_1337 = arith.xori %or3A_1336, %add3A_1329 : vector<16xi32>
        %add3A_1338 = vector.broadcast %xor3A_1254 : i32 to vector<16xi32>
        %add3A_1339 = arith.addi %add3A_1329, %add3A_1338 : vector<16xi32>
        %add3A_1340 = vector.broadcast %while3A : i32 to vector<16xi32>
        %add3A_1341 = arith.addi %xor3A_1337, %add3A_1340 : vector<16xi32>
        %add3A_1342 = arith.constant 2 : i32
        %add3A_1343 = vector.broadcast %add3A_1342 : i32 to vector<16xi32>
        %add3A_1344 = arith.addi %add3A_1341, %add3A_1343 : vector<16xi32>
        %add3A_1345 = arith.addi %add3A_1339, %add3A_1344 : vector<16xi32>
        %shift_left3A_1346 = arith.constant 13 : i32
        %shift_left3A_1347 = vector.broadcast %shift_left3A_1346 : i32 to vector<16xi32>
        %shift_left3A_1348 = arith.shli %add3A_1344, %shift_left3A_1347 : vector<16xi32>
        %shift_right_logical3A_1349 = arith.constant 19 : i32
        %shift_right_logical3A_1350 = vector.broadcast %shift_right_logical3A_1349 : i32 to vector<16xi32>
        %shift_right_logical3A_1351 = arith.shrui %add3A_1344, %shift_right_logical3A_1350 : vector<16xi32>
        %or3A_1352 = arith.ori %shift_left3A_1348, %shift_right_logical3A_1351 : vector<16xi32>
        %xor3A_1353 = arith.xori %or3A_1352, %add3A_1345 : vector<16xi32>
        %add3A_1354 = arith.addi %add3A_1345, %xor3A_1353 : vector<16xi32>
        %shift_left3A_1355 = arith.constant 15 : i32
        %shift_left3A_1356 = vector.broadcast %shift_left3A_1355 : i32 to vector<16xi32>
        %shift_left3A_1357 = arith.shli %xor3A_1353, %shift_left3A_1356 : vector<16xi32>
        %shift_right_logical3A_1358 = arith.constant 17 : i32
        %shift_right_logical3A_1359 = vector.broadcast %shift_right_logical3A_1358 : i32 to vector<16xi32>
        %shift_right_logical3A_1360 = arith.shrui %xor3A_1353, %shift_right_logical3A_1359 : vector<16xi32>
        %or3A_1361 = arith.ori %shift_left3A_1357, %shift_right_logical3A_1360 : vector<16xi32>
        %xor3A_1362 = arith.xori %or3A_1361, %add3A_1354 : vector<16xi32>
        %add3A_1363 = arith.addi %add3A_1354, %xor3A_1362 : vector<16xi32>
        %shift_left3A_1364 = arith.constant 26 : i32
        %shift_left3A_1365 = vector.broadcast %shift_left3A_1364 : i32 to vector<16xi32>
        %shift_left3A_1366 = arith.shli %xor3A_1362, %shift_left3A_1365 : vector<16xi32>
        %shift_right_logical3A_1367 = arith.constant 6 : i32
        %shift_right_logical3A_1368 = vector.broadcast %shift_right_logical3A_1367 : i32 to vector<16xi32>
        %shift_right_logical3A_1369 = arith.shrui %xor3A_1362, %shift_right_logical3A_1368 : vector<16xi32>
        %or3A_1370 = arith.ori %shift_left3A_1366, %shift_right_logical3A_1369 : vector<16xi32>
        %xor3A_1371 = arith.xori %or3A_1370, %add3A_1363 : vector<16xi32>
        %add3A_1372 = arith.addi %add3A_1363, %xor3A_1371 : vector<16xi32>
        %shift_left3A_1373 = arith.constant 6 : i32
        %shift_left3A_1374 = vector.broadcast %shift_left3A_1373 : i32 to vector<16xi32>
        %shift_left3A_1375 = arith.shli %xor3A_1371, %shift_left3A_1374 : vector<16xi32>
        %shift_right_logical3A_1376 = arith.constant 26 : i32
        %shift_right_logical3A_1377 = vector.broadcast %shift_right_logical3A_1376 : i32 to vector<16xi32>
        %shift_right_logical3A_1378 = arith.shrui %xor3A_1371, %shift_right_logical3A_1377 : vector<16xi32>
        %or3A_1379 = arith.ori %shift_left3A_1375, %shift_right_logical3A_1378 : vector<16xi32>
        %xor3A_1380 = arith.xori %or3A_1379, %add3A_1372 : vector<16xi32>
        %add3A_1381 = vector.broadcast %while3A : i32 to vector<16xi32>
        %add3A_1382 = arith.addi %add3A_1372, %add3A_1381 : vector<16xi32>
        %add3A_1383 = vector.broadcast %while3A_7 : i32 to vector<16xi32>
        %add3A_1384 = arith.addi %xor3A_1380, %add3A_1383 : vector<16xi32>
        %add3A_1385 = arith.constant 3 : i32
        %add3A_1386 = vector.broadcast %add3A_1385 : i32 to vector<16xi32>
        %add3A_1387 = arith.addi %add3A_1384, %add3A_1386 : vector<16xi32>
        %add3A_1388 = arith.addi %add3A_1382, %add3A_1387 : vector<16xi32>
        %shift_left3A_1389 = arith.constant 17 : i32
        %shift_left3A_1390 = vector.broadcast %shift_left3A_1389 : i32 to vector<16xi32>
        %shift_left3A_1391 = arith.shli %add3A_1387, %shift_left3A_1390 : vector<16xi32>
        %shift_right_logical3A_1392 = arith.constant 15 : i32
        %shift_right_logical3A_1393 = vector.broadcast %shift_right_logical3A_1392 : i32 to vector<16xi32>
        %shift_right_logical3A_1394 = arith.shrui %add3A_1387, %shift_right_logical3A_1393 : vector<16xi32>
        %or3A_1395 = arith.ori %shift_left3A_1391, %shift_right_logical3A_1394 : vector<16xi32>
        %xor3A_1396 = arith.xori %or3A_1395, %add3A_1388 : vector<16xi32>
        %add3A_1397 = arith.addi %add3A_1388, %xor3A_1396 : vector<16xi32>
        %shift_left3A_1398 = arith.constant 29 : i32
        %shift_left3A_1399 = vector.broadcast %shift_left3A_1398 : i32 to vector<16xi32>
        %shift_left3A_1400 = arith.shli %xor3A_1396, %shift_left3A_1399 : vector<16xi32>
        %shift_right_logical3A_1401 = arith.constant 3 : i32
        %shift_right_logical3A_1402 = vector.broadcast %shift_right_logical3A_1401 : i32 to vector<16xi32>
        %shift_right_logical3A_1403 = arith.shrui %xor3A_1396, %shift_right_logical3A_1402 : vector<16xi32>
        %or3A_1404 = arith.ori %shift_left3A_1400, %shift_right_logical3A_1403 : vector<16xi32>
        %xor3A_1405 = arith.xori %or3A_1404, %add3A_1397 : vector<16xi32>
        %add3A_1406 = arith.addi %add3A_1397, %xor3A_1405 : vector<16xi32>
        %shift_left3A_1407 = arith.constant 16 : i32
        %shift_left3A_1408 = vector.broadcast %shift_left3A_1407 : i32 to vector<16xi32>
        %shift_left3A_1409 = arith.shli %xor3A_1405, %shift_left3A_1408 : vector<16xi32>
        %shift_right_logical3A_1410 = arith.constant 16 : i32
        %shift_right_logical3A_1411 = vector.broadcast %shift_right_logical3A_1410 : i32 to vector<16xi32>
        %shift_right_logical3A_1412 = arith.shrui %xor3A_1405, %shift_right_logical3A_1411 : vector<16xi32>
        %or3A_1413 = arith.ori %shift_left3A_1409, %shift_right_logical3A_1412 : vector<16xi32>
        %xor3A_1414 = arith.xori %or3A_1413, %add3A_1406 : vector<16xi32>
        %add3A_1415 = arith.addi %add3A_1406, %xor3A_1414 : vector<16xi32>
        %shift_left3A_1416 = arith.constant 24 : i32
        %shift_left3A_1417 = vector.broadcast %shift_left3A_1416 : i32 to vector<16xi32>
        %shift_left3A_1418 = arith.shli %xor3A_1414, %shift_left3A_1417 : vector<16xi32>
        %shift_right_logical3A_1419 = arith.constant 8 : i32
        %shift_right_logical3A_1420 = vector.broadcast %shift_right_logical3A_1419 : i32 to vector<16xi32>
        %shift_right_logical3A_1421 = arith.shrui %xor3A_1414, %shift_right_logical3A_1420 : vector<16xi32>
        %or3A_1422 = arith.ori %shift_left3A_1418, %shift_right_logical3A_1421 : vector<16xi32>
        %xor3A_1423 = arith.xori %or3A_1422, %add3A_1415 : vector<16xi32>
        %add3A_1424 = vector.broadcast %while3A_7 : i32 to vector<16xi32>
        %add3A_1425 = arith.addi %add3A_1415, %add3A_1424 : vector<16xi32>
        %add3A_1426 = vector.broadcast %xor3A_1254 : i32 to vector<16xi32>
        %add3A_1427 = arith.addi %xor3A_1423, %add3A_1426 : vector<16xi32>
        %add3A_1428 = arith.constant 4 : i32
        %add3A_1429 = vector.broadcast %add3A_1428 : i32 to vector<16xi32>
        %add3A_1430 = arith.addi %add3A_1427, %add3A_1429 : vector<16xi32>
        %add3A_1431 = arith.addi %add3A_1425, %add3A_1430 : vector<16xi32>
        %shift_left3A_1432 = arith.constant 13 : i32
        %shift_left3A_1433 = vector.broadcast %shift_left3A_1432 : i32 to vector<16xi32>
        %shift_left3A_1434 = arith.shli %add3A_1430, %shift_left3A_1433 : vector<16xi32>
        %shift_right_logical3A_1435 = arith.constant 19 : i32
        %shift_right_logical3A_1436 = vector.broadcast %shift_right_logical3A_1435 : i32 to vector<16xi32>
        %shift_right_logical3A_1437 = arith.shrui %add3A_1430, %shift_right_logical3A_1436 : vector<16xi32>
        %or3A_1438 = arith.ori %shift_left3A_1434, %shift_right_logical3A_1437 : vector<16xi32>
        %xor3A_1439 = arith.xori %or3A_1438, %add3A_1431 : vector<16xi32>
        %add3A_1440 = arith.addi %add3A_1431, %xor3A_1439 : vector<16xi32>
        %shift_left3A_1441 = arith.constant 15 : i32
        %shift_left3A_1442 = vector.broadcast %shift_left3A_1441 : i32 to vector<16xi32>
        %shift_left3A_1443 = arith.shli %xor3A_1439, %shift_left3A_1442 : vector<16xi32>
        %shift_right_logical3A_1444 = arith.constant 17 : i32
        %shift_right_logical3A_1445 = vector.broadcast %shift_right_logical3A_1444 : i32 to vector<16xi32>
        %shift_right_logical3A_1446 = arith.shrui %xor3A_1439, %shift_right_logical3A_1445 : vector<16xi32>
        %or3A_1447 = arith.ori %shift_left3A_1443, %shift_right_logical3A_1446 : vector<16xi32>
        %xor3A_1448 = arith.xori %or3A_1447, %add3A_1440 : vector<16xi32>
        %add3A_1449 = arith.addi %add3A_1440, %xor3A_1448 : vector<16xi32>
        %shift_left3A_1450 = arith.constant 26 : i32
        %shift_left3A_1451 = vector.broadcast %shift_left3A_1450 : i32 to vector<16xi32>
        %shift_left3A_1452 = arith.shli %xor3A_1448, %shift_left3A_1451 : vector<16xi32>
        %shift_right_logical3A_1453 = arith.constant 6 : i32
        %shift_right_logical3A_1454 = vector.broadcast %shift_right_logical3A_1453 : i32 to vector<16xi32>
        %shift_right_logical3A_1455 = arith.shrui %xor3A_1448, %shift_right_logical3A_1454 : vector<16xi32>
        %or3A_1456 = arith.ori %shift_left3A_1452, %shift_right_logical3A_1455 : vector<16xi32>
        %xor3A_1457 = arith.xori %or3A_1456, %add3A_1449 : vector<16xi32>
        %add3A_1458 = arith.addi %add3A_1449, %xor3A_1457 : vector<16xi32>
        %shift_left3A_1459 = arith.constant 6 : i32
        %shift_left3A_1460 = vector.broadcast %shift_left3A_1459 : i32 to vector<16xi32>
        %shift_left3A_1461 = arith.shli %xor3A_1457, %shift_left3A_1460 : vector<16xi32>
        %shift_right_logical3A_1462 = arith.constant 26 : i32
        %shift_right_logical3A_1463 = vector.broadcast %shift_right_logical3A_1462 : i32 to vector<16xi32>
        %shift_right_logical3A_1464 = arith.shrui %xor3A_1457, %shift_right_logical3A_1463 : vector<16xi32>
        %or3A_1465 = arith.ori %shift_left3A_1461, %shift_right_logical3A_1464 : vector<16xi32>
        %xor3A_1466 = arith.xori %or3A_1465, %add3A_1458 : vector<16xi32>
        %add3A_1467 = vector.broadcast %xor3A_1254 : i32 to vector<16xi32>
        %add3A_1468 = arith.addi %add3A_1458, %add3A_1467 : vector<16xi32>
        %add3A_1469 = vector.broadcast %while3A : i32 to vector<16xi32>
        %add3A_1470 = arith.addi %xor3A_1466, %add3A_1469 : vector<16xi32>
        %add3A_1471 = arith.constant 5 : i32
        %add3A_1472 = vector.broadcast %add3A_1471 : i32 to vector<16xi32>
        %add3A_1473 = arith.addi %add3A_1470, %add3A_1472 : vector<16xi32>
        %xor3A_1474 = arith.xori %add3A_1468, %add3A_1473 : vector<16xi32>
        %broadcast_in_dim3A_1475 = arith.constant 0 : i32
        %broadcast_in_dim3A_1476 = vector.broadcast %broadcast_in_dim3A_1475 : i32 to vector<16xi32>
        %xor3A_1477 = arith.xori %while3A, %while3A_7 : i32
        %xor3A_1478 = arith.constant 466688986 : i32
        %xor3A_1479 = arith.xori %xor3A_1477, %xor3A_1478 : i32
        %add3A_1480 = vector.broadcast %while3A : i32 to vector<16xi32>
        %add3A_1481 = arith.addi %broadcast_in_dim3A_1476, %add3A_1480 : vector<16xi32>
        %add3A_1482 = vector.broadcast %while3A_7 : i32 to vector<16xi32>
        %add3A_1483 = arith.addi %add3A_1249, %add3A_1482 : vector<16xi32>
        %add3A_1484 = arith.addi %add3A_1481, %add3A_1483 : vector<16xi32>
        %shift_left3A_1485 = arith.constant 13 : i32
        %shift_left3A_1486 = vector.broadcast %shift_left3A_1485 : i32 to vector<16xi32>
        %shift_left3A_1487 = arith.shli %add3A_1483, %shift_left3A_1486 : vector<16xi32>
        %shift_right_logical3A_1488 = arith.constant 19 : i32
        %shift_right_logical3A_1489 = vector.broadcast %shift_right_logical3A_1488 : i32 to vector<16xi32>
        %shift_right_logical3A_1490 = arith.shrui %add3A_1483, %shift_right_logical3A_1489 : vector<16xi32>
        %or3A_1491 = arith.ori %shift_left3A_1487, %shift_right_logical3A_1490 : vector<16xi32>
        %xor3A_1492 = arith.xori %or3A_1491, %add3A_1484 : vector<16xi32>
        %add3A_1493 = arith.addi %add3A_1484, %xor3A_1492 : vector<16xi32>
        %shift_left3A_1494 = arith.constant 15 : i32
        %shift_left3A_1495 = vector.broadcast %shift_left3A_1494 : i32 to vector<16xi32>
        %shift_left3A_1496 = arith.shli %xor3A_1492, %shift_left3A_1495 : vector<16xi32>
        %shift_right_logical3A_1497 = arith.constant 17 : i32
        %shift_right_logical3A_1498 = vector.broadcast %shift_right_logical3A_1497 : i32 to vector<16xi32>
        %shift_right_logical3A_1499 = arith.shrui %xor3A_1492, %shift_right_logical3A_1498 : vector<16xi32>
        %or3A_1500 = arith.ori %shift_left3A_1496, %shift_right_logical3A_1499 : vector<16xi32>
        %xor3A_1501 = arith.xori %or3A_1500, %add3A_1493 : vector<16xi32>
        %add3A_1502 = arith.addi %add3A_1493, %xor3A_1501 : vector<16xi32>
        %shift_left3A_1503 = arith.constant 26 : i32
        %shift_left3A_1504 = vector.broadcast %shift_left3A_1503 : i32 to vector<16xi32>
        %shift_left3A_1505 = arith.shli %xor3A_1501, %shift_left3A_1504 : vector<16xi32>
        %shift_right_logical3A_1506 = arith.constant 6 : i32
        %shift_right_logical3A_1507 = vector.broadcast %shift_right_logical3A_1506 : i32 to vector<16xi32>
        %shift_right_logical3A_1508 = arith.shrui %xor3A_1501, %shift_right_logical3A_1507 : vector<16xi32>
        %or3A_1509 = arith.ori %shift_left3A_1505, %shift_right_logical3A_1508 : vector<16xi32>
        %xor3A_1510 = arith.xori %or3A_1509, %add3A_1502 : vector<16xi32>
        %add3A_1511 = arith.addi %add3A_1502, %xor3A_1510 : vector<16xi32>
        %shift_left3A_1512 = arith.constant 6 : i32
        %shift_left3A_1513 = vector.broadcast %shift_left3A_1512 : i32 to vector<16xi32>
        %shift_left3A_1514 = arith.shli %xor3A_1510, %shift_left3A_1513 : vector<16xi32>
        %shift_right_logical3A_1515 = arith.constant 26 : i32
        %shift_right_logical3A_1516 = vector.broadcast %shift_right_logical3A_1515 : i32 to vector<16xi32>
        %shift_right_logical3A_1517 = arith.shrui %xor3A_1510, %shift_right_logical3A_1516 : vector<16xi32>
        %or3A_1518 = arith.ori %shift_left3A_1514, %shift_right_logical3A_1517 : vector<16xi32>
        %xor3A_1519 = arith.xori %or3A_1518, %add3A_1511 : vector<16xi32>
        %add3A_1520 = vector.broadcast %while3A_7 : i32 to vector<16xi32>
        %add3A_1521 = arith.addi %add3A_1511, %add3A_1520 : vector<16xi32>
        %add3A_1522 = vector.broadcast %xor3A_1479 : i32 to vector<16xi32>
        %add3A_1523 = arith.addi %xor3A_1519, %add3A_1522 : vector<16xi32>
        %add3A_1524 = arith.constant 1 : i32
        %add3A_1525 = vector.broadcast %add3A_1524 : i32 to vector<16xi32>
        %add3A_1526 = arith.addi %add3A_1523, %add3A_1525 : vector<16xi32>
        %add3A_1527 = arith.addi %add3A_1521, %add3A_1526 : vector<16xi32>
        %shift_left3A_1528 = arith.constant 17 : i32
        %shift_left3A_1529 = vector.broadcast %shift_left3A_1528 : i32 to vector<16xi32>
        %shift_left3A_1530 = arith.shli %add3A_1526, %shift_left3A_1529 : vector<16xi32>
        %shift_right_logical3A_1531 = arith.constant 15 : i32
        %shift_right_logical3A_1532 = vector.broadcast %shift_right_logical3A_1531 : i32 to vector<16xi32>
        %shift_right_logical3A_1533 = arith.shrui %add3A_1526, %shift_right_logical3A_1532 : vector<16xi32>
        %or3A_1534 = arith.ori %shift_left3A_1530, %shift_right_logical3A_1533 : vector<16xi32>
        %xor3A_1535 = arith.xori %or3A_1534, %add3A_1527 : vector<16xi32>
        %add3A_1536 = arith.addi %add3A_1527, %xor3A_1535 : vector<16xi32>
        %shift_left3A_1537 = arith.constant 29 : i32
        %shift_left3A_1538 = vector.broadcast %shift_left3A_1537 : i32 to vector<16xi32>
        %shift_left3A_1539 = arith.shli %xor3A_1535, %shift_left3A_1538 : vector<16xi32>
        %shift_right_logical3A_1540 = arith.constant 3 : i32
        %shift_right_logical3A_1541 = vector.broadcast %shift_right_logical3A_1540 : i32 to vector<16xi32>
        %shift_right_logical3A_1542 = arith.shrui %xor3A_1535, %shift_right_logical3A_1541 : vector<16xi32>
        %or3A_1543 = arith.ori %shift_left3A_1539, %shift_right_logical3A_1542 : vector<16xi32>
        %xor3A_1544 = arith.xori %or3A_1543, %add3A_1536 : vector<16xi32>
        %add3A_1545 = arith.addi %add3A_1536, %xor3A_1544 : vector<16xi32>
        %shift_left3A_1546 = arith.constant 16 : i32
        %shift_left3A_1547 = vector.broadcast %shift_left3A_1546 : i32 to vector<16xi32>
        %shift_left3A_1548 = arith.shli %xor3A_1544, %shift_left3A_1547 : vector<16xi32>
        %shift_right_logical3A_1549 = arith.constant 16 : i32
        %shift_right_logical3A_1550 = vector.broadcast %shift_right_logical3A_1549 : i32 to vector<16xi32>
        %shift_right_logical3A_1551 = arith.shrui %xor3A_1544, %shift_right_logical3A_1550 : vector<16xi32>
        %or3A_1552 = arith.ori %shift_left3A_1548, %shift_right_logical3A_1551 : vector<16xi32>
        %xor3A_1553 = arith.xori %or3A_1552, %add3A_1545 : vector<16xi32>
        %add3A_1554 = arith.addi %add3A_1545, %xor3A_1553 : vector<16xi32>
        %shift_left3A_1555 = arith.constant 24 : i32
        %shift_left3A_1556 = vector.broadcast %shift_left3A_1555 : i32 to vector<16xi32>
        %shift_left3A_1557 = arith.shli %xor3A_1553, %shift_left3A_1556 : vector<16xi32>
        %shift_right_logical3A_1558 = arith.constant 8 : i32
        %shift_right_logical3A_1559 = vector.broadcast %shift_right_logical3A_1558 : i32 to vector<16xi32>
        %shift_right_logical3A_1560 = arith.shrui %xor3A_1553, %shift_right_logical3A_1559 : vector<16xi32>
        %or3A_1561 = arith.ori %shift_left3A_1557, %shift_right_logical3A_1560 : vector<16xi32>
        %xor3A_1562 = arith.xori %or3A_1561, %add3A_1554 : vector<16xi32>
        %add3A_1563 = vector.broadcast %xor3A_1479 : i32 to vector<16xi32>
        %add3A_1564 = arith.addi %add3A_1554, %add3A_1563 : vector<16xi32>
        %add3A_1565 = vector.broadcast %while3A : i32 to vector<16xi32>
        %add3A_1566 = arith.addi %xor3A_1562, %add3A_1565 : vector<16xi32>
        %add3A_1567 = arith.constant 2 : i32
        %add3A_1568 = vector.broadcast %add3A_1567 : i32 to vector<16xi32>
        %add3A_1569 = arith.addi %add3A_1566, %add3A_1568 : vector<16xi32>
        %add3A_1570 = arith.addi %add3A_1564, %add3A_1569 : vector<16xi32>
        %shift_left3A_1571 = arith.constant 13 : i32
        %shift_left3A_1572 = vector.broadcast %shift_left3A_1571 : i32 to vector<16xi32>
        %shift_left3A_1573 = arith.shli %add3A_1569, %shift_left3A_1572 : vector<16xi32>
        %shift_right_logical3A_1574 = arith.constant 19 : i32
        %shift_right_logical3A_1575 = vector.broadcast %shift_right_logical3A_1574 : i32 to vector<16xi32>
        %shift_right_logical3A_1576 = arith.shrui %add3A_1569, %shift_right_logical3A_1575 : vector<16xi32>
        %or3A_1577 = arith.ori %shift_left3A_1573, %shift_right_logical3A_1576 : vector<16xi32>
        %xor3A_1578 = arith.xori %or3A_1577, %add3A_1570 : vector<16xi32>
        %add3A_1579 = arith.addi %add3A_1570, %xor3A_1578 : vector<16xi32>
        %shift_left3A_1580 = arith.constant 15 : i32
        %shift_left3A_1581 = vector.broadcast %shift_left3A_1580 : i32 to vector<16xi32>
        %shift_left3A_1582 = arith.shli %xor3A_1578, %shift_left3A_1581 : vector<16xi32>
        %shift_right_logical3A_1583 = arith.constant 17 : i32
        %shift_right_logical3A_1584 = vector.broadcast %shift_right_logical3A_1583 : i32 to vector<16xi32>
        %shift_right_logical3A_1585 = arith.shrui %xor3A_1578, %shift_right_logical3A_1584 : vector<16xi32>
        %or3A_1586 = arith.ori %shift_left3A_1582, %shift_right_logical3A_1585 : vector<16xi32>
        %xor3A_1587 = arith.xori %or3A_1586, %add3A_1579 : vector<16xi32>
        %add3A_1588 = arith.addi %add3A_1579, %xor3A_1587 : vector<16xi32>
        %shift_left3A_1589 = arith.constant 26 : i32
        %shift_left3A_1590 = vector.broadcast %shift_left3A_1589 : i32 to vector<16xi32>
        %shift_left3A_1591 = arith.shli %xor3A_1587, %shift_left3A_1590 : vector<16xi32>
        %shift_right_logical3A_1592 = arith.constant 6 : i32
        %shift_right_logical3A_1593 = vector.broadcast %shift_right_logical3A_1592 : i32 to vector<16xi32>
        %shift_right_logical3A_1594 = arith.shrui %xor3A_1587, %shift_right_logical3A_1593 : vector<16xi32>
        %or3A_1595 = arith.ori %shift_left3A_1591, %shift_right_logical3A_1594 : vector<16xi32>
        %xor3A_1596 = arith.xori %or3A_1595, %add3A_1588 : vector<16xi32>
        %add3A_1597 = arith.addi %add3A_1588, %xor3A_1596 : vector<16xi32>
        %shift_left3A_1598 = arith.constant 6 : i32
        %shift_left3A_1599 = vector.broadcast %shift_left3A_1598 : i32 to vector<16xi32>
        %shift_left3A_1600 = arith.shli %xor3A_1596, %shift_left3A_1599 : vector<16xi32>
        %shift_right_logical3A_1601 = arith.constant 26 : i32
        %shift_right_logical3A_1602 = vector.broadcast %shift_right_logical3A_1601 : i32 to vector<16xi32>
        %shift_right_logical3A_1603 = arith.shrui %xor3A_1596, %shift_right_logical3A_1602 : vector<16xi32>
        %or3A_1604 = arith.ori %shift_left3A_1600, %shift_right_logical3A_1603 : vector<16xi32>
        %xor3A_1605 = arith.xori %or3A_1604, %add3A_1597 : vector<16xi32>
        %add3A_1606 = vector.broadcast %while3A : i32 to vector<16xi32>
        %add3A_1607 = arith.addi %add3A_1597, %add3A_1606 : vector<16xi32>
        %add3A_1608 = vector.broadcast %while3A_7 : i32 to vector<16xi32>
        %add3A_1609 = arith.addi %xor3A_1605, %add3A_1608 : vector<16xi32>
        %add3A_1610 = arith.constant 3 : i32
        %add3A_1611 = vector.broadcast %add3A_1610 : i32 to vector<16xi32>
        %add3A_1612 = arith.addi %add3A_1609, %add3A_1611 : vector<16xi32>
        %add3A_1613 = arith.addi %add3A_1607, %add3A_1612 : vector<16xi32>
        %shift_left3A_1614 = arith.constant 17 : i32
        %shift_left3A_1615 = vector.broadcast %shift_left3A_1614 : i32 to vector<16xi32>
        %shift_left3A_1616 = arith.shli %add3A_1612, %shift_left3A_1615 : vector<16xi32>
        %shift_right_logical3A_1617 = arith.constant 15 : i32
        %shift_right_logical3A_1618 = vector.broadcast %shift_right_logical3A_1617 : i32 to vector<16xi32>
        %shift_right_logical3A_1619 = arith.shrui %add3A_1612, %shift_right_logical3A_1618 : vector<16xi32>
        %or3A_1620 = arith.ori %shift_left3A_1616, %shift_right_logical3A_1619 : vector<16xi32>
        %xor3A_1621 = arith.xori %or3A_1620, %add3A_1613 : vector<16xi32>
        %add3A_1622 = arith.addi %add3A_1613, %xor3A_1621 : vector<16xi32>
        %shift_left3A_1623 = arith.constant 29 : i32
        %shift_left3A_1624 = vector.broadcast %shift_left3A_1623 : i32 to vector<16xi32>
        %shift_left3A_1625 = arith.shli %xor3A_1621, %shift_left3A_1624 : vector<16xi32>
        %shift_right_logical3A_1626 = arith.constant 3 : i32
        %shift_right_logical3A_1627 = vector.broadcast %shift_right_logical3A_1626 : i32 to vector<16xi32>
        %shift_right_logical3A_1628 = arith.shrui %xor3A_1621, %shift_right_logical3A_1627 : vector<16xi32>
        %or3A_1629 = arith.ori %shift_left3A_1625, %shift_right_logical3A_1628 : vector<16xi32>
        %xor3A_1630 = arith.xori %or3A_1629, %add3A_1622 : vector<16xi32>
        %add3A_1631 = arith.addi %add3A_1622, %xor3A_1630 : vector<16xi32>
        %shift_left3A_1632 = arith.constant 16 : i32
        %shift_left3A_1633 = vector.broadcast %shift_left3A_1632 : i32 to vector<16xi32>
        %shift_left3A_1634 = arith.shli %xor3A_1630, %shift_left3A_1633 : vector<16xi32>
        %shift_right_logical3A_1635 = arith.constant 16 : i32
        %shift_right_logical3A_1636 = vector.broadcast %shift_right_logical3A_1635 : i32 to vector<16xi32>
        %shift_right_logical3A_1637 = arith.shrui %xor3A_1630, %shift_right_logical3A_1636 : vector<16xi32>
        %or3A_1638 = arith.ori %shift_left3A_1634, %shift_right_logical3A_1637 : vector<16xi32>
        %xor3A_1639 = arith.xori %or3A_1638, %add3A_1631 : vector<16xi32>
        %add3A_1640 = arith.addi %add3A_1631, %xor3A_1639 : vector<16xi32>
        %shift_left3A_1641 = arith.constant 24 : i32
        %shift_left3A_1642 = vector.broadcast %shift_left3A_1641 : i32 to vector<16xi32>
        %shift_left3A_1643 = arith.shli %xor3A_1639, %shift_left3A_1642 : vector<16xi32>
        %shift_right_logical3A_1644 = arith.constant 8 : i32
        %shift_right_logical3A_1645 = vector.broadcast %shift_right_logical3A_1644 : i32 to vector<16xi32>
        %shift_right_logical3A_1646 = arith.shrui %xor3A_1639, %shift_right_logical3A_1645 : vector<16xi32>
        %or3A_1647 = arith.ori %shift_left3A_1643, %shift_right_logical3A_1646 : vector<16xi32>
        %xor3A_1648 = arith.xori %or3A_1647, %add3A_1640 : vector<16xi32>
        %add3A_1649 = vector.broadcast %while3A_7 : i32 to vector<16xi32>
        %add3A_1650 = arith.addi %add3A_1640, %add3A_1649 : vector<16xi32>
        %add3A_1651 = vector.broadcast %xor3A_1479 : i32 to vector<16xi32>
        %add3A_1652 = arith.addi %xor3A_1648, %add3A_1651 : vector<16xi32>
        %add3A_1653 = arith.constant 4 : i32
        %add3A_1654 = vector.broadcast %add3A_1653 : i32 to vector<16xi32>
        %add3A_1655 = arith.addi %add3A_1652, %add3A_1654 : vector<16xi32>
        %add3A_1656 = arith.addi %add3A_1650, %add3A_1655 : vector<16xi32>
        %shift_left3A_1657 = arith.constant 13 : i32
        %shift_left3A_1658 = vector.broadcast %shift_left3A_1657 : i32 to vector<16xi32>
        %shift_left3A_1659 = arith.shli %add3A_1655, %shift_left3A_1658 : vector<16xi32>
        %shift_right_logical3A_1660 = arith.constant 19 : i32
        %shift_right_logical3A_1661 = vector.broadcast %shift_right_logical3A_1660 : i32 to vector<16xi32>
        %shift_right_logical3A_1662 = arith.shrui %add3A_1655, %shift_right_logical3A_1661 : vector<16xi32>
        %or3A_1663 = arith.ori %shift_left3A_1659, %shift_right_logical3A_1662 : vector<16xi32>
        %xor3A_1664 = arith.xori %or3A_1663, %add3A_1656 : vector<16xi32>
        %add3A_1665 = arith.addi %add3A_1656, %xor3A_1664 : vector<16xi32>
        %shift_left3A_1666 = arith.constant 15 : i32
        %shift_left3A_1667 = vector.broadcast %shift_left3A_1666 : i32 to vector<16xi32>
        %shift_left3A_1668 = arith.shli %xor3A_1664, %shift_left3A_1667 : vector<16xi32>
        %shift_right_logical3A_1669 = arith.constant 17 : i32
        %shift_right_logical3A_1670 = vector.broadcast %shift_right_logical3A_1669 : i32 to vector<16xi32>
        %shift_right_logical3A_1671 = arith.shrui %xor3A_1664, %shift_right_logical3A_1670 : vector<16xi32>
        %or3A_1672 = arith.ori %shift_left3A_1668, %shift_right_logical3A_1671 : vector<16xi32>
        %xor3A_1673 = arith.xori %or3A_1672, %add3A_1665 : vector<16xi32>
        %add3A_1674 = arith.addi %add3A_1665, %xor3A_1673 : vector<16xi32>
        %shift_left3A_1675 = arith.constant 26 : i32
        %shift_left3A_1676 = vector.broadcast %shift_left3A_1675 : i32 to vector<16xi32>
        %shift_left3A_1677 = arith.shli %xor3A_1673, %shift_left3A_1676 : vector<16xi32>
        %shift_right_logical3A_1678 = arith.constant 6 : i32
        %shift_right_logical3A_1679 = vector.broadcast %shift_right_logical3A_1678 : i32 to vector<16xi32>
        %shift_right_logical3A_1680 = arith.shrui %xor3A_1673, %shift_right_logical3A_1679 : vector<16xi32>
        %or3A_1681 = arith.ori %shift_left3A_1677, %shift_right_logical3A_1680 : vector<16xi32>
        %xor3A_1682 = arith.xori %or3A_1681, %add3A_1674 : vector<16xi32>
        %add3A_1683 = arith.addi %add3A_1674, %xor3A_1682 : vector<16xi32>
        %shift_left3A_1684 = arith.constant 6 : i32
        %shift_left3A_1685 = vector.broadcast %shift_left3A_1684 : i32 to vector<16xi32>
        %shift_left3A_1686 = arith.shli %xor3A_1682, %shift_left3A_1685 : vector<16xi32>
        %shift_right_logical3A_1687 = arith.constant 26 : i32
        %shift_right_logical3A_1688 = vector.broadcast %shift_right_logical3A_1687 : i32 to vector<16xi32>
        %shift_right_logical3A_1689 = arith.shrui %xor3A_1682, %shift_right_logical3A_1688 : vector<16xi32>
        %or3A_1690 = arith.ori %shift_left3A_1686, %shift_right_logical3A_1689 : vector<16xi32>
        %xor3A_1691 = arith.xori %or3A_1690, %add3A_1683 : vector<16xi32>
        %add3A_1692 = vector.broadcast %xor3A_1479 : i32 to vector<16xi32>
        %add3A_1693 = arith.addi %add3A_1683, %add3A_1692 : vector<16xi32>
        %add3A_1694 = vector.broadcast %while3A : i32 to vector<16xi32>
        %add3A_1695 = arith.addi %xor3A_1691, %add3A_1694 : vector<16xi32>
        %add3A_1696 = arith.constant 5 : i32
        %add3A_1697 = vector.broadcast %add3A_1696 : i32 to vector<16xi32>
        %add3A_1698 = arith.addi %add3A_1695, %add3A_1697 : vector<16xi32>
        %xor3A_1699 = arith.xori %add3A_1693, %add3A_1698 : vector<16xi32>
        %shift_right_logical3A_1700 = arith.constant 9 : i32
        %shift_right_logical3A_1701 = vector.broadcast %shift_right_logical3A_1700 : i32 to vector<16xi32>
        %shift_right_logical3A_1702 = arith.shrui %xor3A_1474, %shift_right_logical3A_1701 : vector<16xi32>
        %lt3A_1703 = arith.constant 838861 : i32
        %lt3A_1704 = vector.broadcast %lt3A_1703 : i32 to vector<16xi32>
        %lt3A_1705 = arith.cmpi slt, %shift_right_logical3A_1702, %lt3A_1704 : vector<16xi32>
        %convert_element_type3A_1706 = arith.extui %lt3A_1705 : vector<16xi1> to vector<16xi32>
        %shift_right_logical3A_1707 = arith.constant 9 : i32
        %shift_right_logical3A_1708 = vector.broadcast %shift_right_logical3A_1707 : i32 to vector<16xi32>
        %shift_right_logical3A_1709 = arith.shrui %xor3A_1699, %shift_right_logical3A_1708 : vector<16xi32>
        %lt3A_1710 = arith.constant 838861 : i32
        %lt3A_1711 = vector.broadcast %lt3A_1710 : i32 to vector<16xi32>
        %lt3A_1712 = arith.cmpi slt, %shift_right_logical3A_1709, %lt3A_1711 : vector<16xi32>
        %convert_element_type3A_1713 = arith.extui %lt3A_1712 : vector<16xi1> to vector<16xi32>
        %add3A_1714 = arith.addi %convert_element_type3A_1706, %convert_element_type3A_1713 : vector<16xi32>
        %reduce_sum3A = arith.constant true
        %reduce_sum3A_1715 = vector.broadcast %reduce_sum3A : i1 to vector<16xi1>
        %reduce_sum3A_1716 = tpu.scan <sum>, %add3A_1714 masked %reduce_sum3A_1715 : vector<16xi32>, vector<16xi1> -> vector<16xi32>
        %reduce_sum3A_1717 = vector.extract %reduce_sum3A_1716[15] : i32 from vector<16xi32>
        %add3A_1718 = arith.addi %while3A_1238, %reduce_sum3A_1717 : i32
        %add3A_1719 = arith.constant 2 : i32
        %add3A_1720 = arith.addi %while3A_1239, %add3A_1719 : i32
        scf.yield %add3A_1718, %add3A_1720 : i32, i32
      }
      %min3A = arith.constant 16 : i32
      %min3A_11 = arith.minsi %while3A_10#0, %min3A : i32
      %iota3A_12 = tpu.iota {dimensions = array<i32: 0>} : vector<16xi32>
      %broadcast_in_dim3A = arith.constant 0 : i32
      %broadcast_in_dim3A_13 = vector.broadcast %broadcast_in_dim3A : i32 to vector<16xi32>
      %eq3A = arith.constant 0 : i32
      %eq3A_14 = vector.broadcast %eq3A : i32 to vector<16xi32>
      %eq3A_15 = arith.cmpi eq, %iota3A_12, %eq3A_14 : vector<16xi32>
      %jit3A = arith.constant -1944951124 : i32
      %broadcast_in_dim3A_16 = vector.broadcast %jit3A : i32 to vector<16xi32>
      %select_n3A = arith.select %eq3A_15, %broadcast_in_dim3A_16, %broadcast_in_dim3A_13 : vector<16xi1>, vector<16xi32>
      %eq3A_17 = arith.constant 1 : i32
      %eq3A_18 = vector.broadcast %eq3A_17 : i32 to vector<16xi32>
      %eq3A_19 = arith.cmpi eq, %iota3A_12, %eq3A_18 : vector<16xi32>
      %jit3A_20 = arith.constant -1441181341 : i32
      %broadcast_in_dim3A_21 = vector.broadcast %jit3A_20 : i32 to vector<16xi32>
      %select_n3A_22 = arith.select %eq3A_19, %broadcast_in_dim3A_21, %select_n3A : vector<16xi1>, vector<16xi32>
      %eq3A_23 = arith.constant 2 : i32
      %eq3A_24 = vector.broadcast %eq3A_23 : i32 to vector<16xi32>
      %eq3A_25 = arith.cmpi eq, %iota3A_12, %eq3A_24 : vector<16xi32>
      %jit3A_26 = arith.constant 1914800406 : i32
      %broadcast_in_dim3A_27 = vector.broadcast %jit3A_26 : i32 to vector<16xi32>
      %select_n3A_28 = arith.select %eq3A_25, %broadcast_in_dim3A_27, %select_n3A_22 : vector<16xi1>, vector<16xi32>
      %eq3A_29 = arith.constant 3 : i32
      %eq3A_30 = vector.broadcast %eq3A_29 : i32 to vector<16xi32>
      %eq3A_31 = arith.cmpi eq, %iota3A_12, %eq3A_30 : vector<16xi32>
      %jit3A_32 = arith.constant 1770995085 : i32
      %broadcast_in_dim3A_33 = vector.broadcast %jit3A_32 : i32 to vector<16xi32>
      %select_n3A_34 = arith.select %eq3A_31, %broadcast_in_dim3A_33, %select_n3A_28 : vector<16xi1>, vector<16xi32>
      %eq3A_35 = arith.constant 4 : i32
      %eq3A_36 = vector.broadcast %eq3A_35 : i32 to vector<16xi32>
      %eq3A_37 = arith.cmpi eq, %iota3A_12, %eq3A_36 : vector<16xi32>
      %jit3A_38 = arith.constant -540547700 : i32
      %broadcast_in_dim3A_39 = vector.broadcast %jit3A_38 : i32 to vector<16xi32>
      %select_n3A_40 = arith.select %eq3A_37, %broadcast_in_dim3A_39, %select_n3A_34 : vector<16xi1>, vector<16xi32>
      %eq3A_41 = arith.constant 5 : i32
      %eq3A_42 = vector.broadcast %eq3A_41 : i32 to vector<16xi32>
      %eq3A_43 = arith.cmpi eq, %iota3A_12, %eq3A_42 : vector<16xi32>
      %jit3A_44 = arith.constant -1090637789 : i32
      %broadcast_in_dim3A_45 = vector.broadcast %jit3A_44 : i32 to vector<16xi32>
      %select_n3A_46 = arith.select %eq3A_43, %broadcast_in_dim3A_45, %select_n3A_40 : vector<16xi1>, vector<16xi32>
      %eq3A_47 = arith.constant 6 : i32
      %eq3A_48 = vector.broadcast %eq3A_47 : i32 to vector<16xi32>
      %eq3A_49 = arith.cmpi eq, %iota3A_12, %eq3A_48 : vector<16xi32>
      %jit3A_50 = arith.constant -381340724 : i32
      %broadcast_in_dim3A_51 = vector.broadcast %jit3A_50 : i32 to vector<16xi32>
      %select_n3A_52 = arith.select %eq3A_49, %broadcast_in_dim3A_51, %select_n3A_46 : vector<16xi1>, vector<16xi32>
      %eq3A_53 = arith.constant 7 : i32
      %eq3A_54 = vector.broadcast %eq3A_53 : i32 to vector<16xi32>
      %eq3A_55 = arith.cmpi eq, %iota3A_12, %eq3A_54 : vector<16xi32>
      %jit3A_56 = arith.constant 693197797 : i32
      %broadcast_in_dim3A_57 = vector.broadcast %jit3A_56 : i32 to vector<16xi32>
      %select_n3A_58 = arith.select %eq3A_55, %broadcast_in_dim3A_57, %select_n3A_52 : vector<16xi1>, vector<16xi32>
      %eq3A_59 = arith.constant 8 : i32
      %eq3A_60 = vector.broadcast %eq3A_59 : i32 to vector<16xi32>
      %eq3A_61 = arith.cmpi eq, %iota3A_12, %eq3A_60 : vector<16xi32>
      %jit3A_62 = arith.constant 1520857337 : i32
      %broadcast_in_dim3A_63 = vector.broadcast %jit3A_62 : i32 to vector<16xi32>
      %select_n3A_64 = arith.select %eq3A_61, %broadcast_in_dim3A_63, %select_n3A_58 : vector<16xi1>, vector<16xi32>
      %eq3A_65 = arith.constant 9 : i32
      %eq3A_66 = vector.broadcast %eq3A_65 : i32 to vector<16xi32>
      %eq3A_67 = arith.cmpi eq, %iota3A_12, %eq3A_66 : vector<16xi32>
      %jit3A_68 = arith.constant 1324738421 : i32
      %broadcast_in_dim3A_69 = vector.broadcast %jit3A_68 : i32 to vector<16xi32>
      %select_n3A_70 = arith.select %eq3A_67, %broadcast_in_dim3A_69, %select_n3A_64 : vector<16xi1>, vector<16xi32>
      %eq3A_71 = arith.constant 10 : i32
      %eq3A_72 = vector.broadcast %eq3A_71 : i32 to vector<16xi32>
      %eq3A_73 = arith.cmpi eq, %iota3A_12, %eq3A_72 : vector<16xi32>
      %jit3A_74 = arith.constant -929345982 : i32
      %broadcast_in_dim3A_75 = vector.broadcast %jit3A_74 : i32 to vector<16xi32>
      %select_n3A_76 = arith.select %eq3A_73, %broadcast_in_dim3A_75, %select_n3A_70 : vector<16xi1>, vector<16xi32>
      %eq3A_77 = arith.constant 11 : i32
      %eq3A_78 = vector.broadcast %eq3A_77 : i32 to vector<16xi32>
      %eq3A_79 = arith.cmpi eq, %iota3A_12, %eq3A_78 : vector<16xi32>
      %jit3A_80 = arith.constant 1072820213 : i32
      %broadcast_in_dim3A_81 = vector.broadcast %jit3A_80 : i32 to vector<16xi32>
      %select_n3A_82 = arith.select %eq3A_79, %broadcast_in_dim3A_81, %select_n3A_76 : vector<16xi1>, vector<16xi32>
      %eq3A_83 = arith.constant 12 : i32
      %eq3A_84 = vector.broadcast %eq3A_83 : i32 to vector<16xi32>
      %eq3A_85 = arith.cmpi eq, %iota3A_12, %eq3A_84 : vector<16xi32>
      %jit3A_86 = arith.constant 1929251373 : i32
      %broadcast_in_dim3A_87 = vector.broadcast %jit3A_86 : i32 to vector<16xi32>
      %select_n3A_88 = arith.select %eq3A_85, %broadcast_in_dim3A_87, %select_n3A_82 : vector<16xi1>, vector<16xi32>
      %eq3A_89 = arith.constant 13 : i32
      %eq3A_90 = vector.broadcast %eq3A_89 : i32 to vector<16xi32>
      %eq3A_91 = arith.cmpi eq, %iota3A_12, %eq3A_90 : vector<16xi32>
      %jit3A_92 = arith.constant -1223625640 : i32
      %broadcast_in_dim3A_93 = vector.broadcast %jit3A_92 : i32 to vector<16xi32>
      %select_n3A_94 = arith.select %eq3A_91, %broadcast_in_dim3A_93, %select_n3A_88 : vector<16xi1>, vector<16xi32>
      %eq3A_95 = arith.constant 14 : i32
      %eq3A_96 = vector.broadcast %eq3A_95 : i32 to vector<16xi32>
      %eq3A_97 = arith.cmpi eq, %iota3A_12, %eq3A_96 : vector<16xi32>
      %jit3A_98 = arith.constant 2142986927 : i32
      %broadcast_in_dim3A_99 = vector.broadcast %jit3A_98 : i32 to vector<16xi32>
      %select_n3A_100 = arith.select %eq3A_97, %broadcast_in_dim3A_99, %select_n3A_94 : vector<16xi1>, vector<16xi32>
      %eq3A_101 = arith.constant 15 : i32
      %eq3A_102 = vector.broadcast %eq3A_101 : i32 to vector<16xi32>
      %eq3A_103 = arith.cmpi eq, %iota3A_12, %eq3A_102 : vector<16xi32>
      %jit3A_104 = arith.constant -941815424 : i32
      %broadcast_in_dim3A_105 = vector.broadcast %jit3A_104 : i32 to vector<16xi32>
      %select_n3A_106 = arith.select %eq3A_103, %broadcast_in_dim3A_105, %select_n3A_100 : vector<16xi1>, vector<16xi32>
      %iota3A_107 = tpu.iota {dimensions = array<i32: 0>} : vector<16xi32>
      %broadcast_in_dim3A_108 = arith.constant 0 : i32
      %broadcast_in_dim3A_109 = vector.broadcast %broadcast_in_dim3A_108 : i32 to vector<16xi32>
      %eq3A_110 = arith.constant 0 : i32
      %eq3A_111 = vector.broadcast %eq3A_110 : i32 to vector<16xi32>
      %eq3A_112 = arith.cmpi eq, %iota3A_107, %eq3A_111 : vector<16xi32>
      %jit3A_113 = arith.constant 1168365246 : i32
      %broadcast_in_dim3A_114 = vector.broadcast %jit3A_113 : i32 to vector<16xi32>
      %select_n3A_115 = arith.select %eq3A_112, %broadcast_in_dim3A_114, %broadcast_in_dim3A_109 : vector<16xi1>, vector<16xi32>
      %eq3A_116 = arith.constant 1 : i32
      %eq3A_117 = vector.broadcast %eq3A_116 : i32 to vector<16xi32>
      %eq3A_118 = arith.cmpi eq, %iota3A_107, %eq3A_117 : vector<16xi32>
      %jit3A_119 = arith.constant 313133857 : i32
      %broadcast_in_dim3A_120 = vector.broadcast %jit3A_119 : i32 to vector<16xi32>
      %select_n3A_121 = arith.select %eq3A_118, %broadcast_in_dim3A_120, %select_n3A_115 : vector<16xi1>, vector<16xi32>
      %eq3A_122 = arith.constant 2 : i32
      %eq3A_123 = vector.broadcast %eq3A_122 : i32 to vector<16xi32>
      %eq3A_124 = arith.cmpi eq, %iota3A_107, %eq3A_123 : vector<16xi32>
      %jit3A_125 = arith.constant 1741898942 : i32
      %broadcast_in_dim3A_126 = vector.broadcast %jit3A_125 : i32 to vector<16xi32>
      %select_n3A_127 = arith.select %eq3A_124, %broadcast_in_dim3A_126, %select_n3A_121 : vector<16xi1>, vector<16xi32>
      %eq3A_128 = arith.constant 3 : i32
      %eq3A_129 = vector.broadcast %eq3A_128 : i32 to vector<16xi32>
      %eq3A_130 = arith.cmpi eq, %iota3A_107, %eq3A_129 : vector<16xi32>
      %jit3A_131 = arith.constant -131107424 : i32
      %broadcast_in_dim3A_132 = vector.broadcast %jit3A_131 : i32 to vector<16xi32>
      %select_n3A_133 = arith.select %eq3A_130, %broadcast_in_dim3A_132, %select_n3A_127 : vector<16xi1>, vector<16xi32>
      %eq3A_134 = arith.constant 4 : i32
      %eq3A_135 = vector.broadcast %eq3A_134 : i32 to vector<16xi32>
      %eq3A_136 = arith.cmpi eq, %iota3A_107, %eq3A_135 : vector<16xi32>
      %jit3A_137 = arith.constant -633782158 : i32
      %broadcast_in_dim3A_138 = vector.broadcast %jit3A_137 : i32 to vector<16xi32>
      %select_n3A_139 = arith.select %eq3A_136, %broadcast_in_dim3A_138, %select_n3A_133 : vector<16xi1>, vector<16xi32>
      %eq3A_140 = arith.constant 5 : i32
      %eq3A_141 = vector.broadcast %eq3A_140 : i32 to vector<16xi32>
      %eq3A_142 = arith.cmpi eq, %iota3A_107, %eq3A_141 : vector<16xi32>
      %jit3A_143 = arith.constant -66406525 : i32
      %broadcast_in_dim3A_144 = vector.broadcast %jit3A_143 : i32 to vector<16xi32>
      %select_n3A_145 = arith.select %eq3A_142, %broadcast_in_dim3A_144, %select_n3A_139 : vector<16xi1>, vector<16xi32>
      %eq3A_146 = arith.constant 6 : i32
      %eq3A_147 = vector.broadcast %eq3A_146 : i32 to vector<16xi32>
      %eq3A_148 = arith.cmpi eq, %iota3A_107, %eq3A_147 : vector<16xi32>
      %jit3A_149 = arith.constant -1774119633 : i32
      %broadcast_in_dim3A_150 = vector.broadcast %jit3A_149 : i32 to vector<16xi32>
      %select_n3A_151 = arith.select %eq3A_148, %broadcast_in_dim3A_150, %select_n3A_145 : vector<16xi1>, vector<16xi32>
      %eq3A_152 = arith.constant 7 : i32
      %eq3A_153 = vector.broadcast %eq3A_152 : i32 to vector<16xi32>
      %eq3A_154 = arith.cmpi eq, %iota3A_107, %eq3A_153 : vector<16xi32>
      %jit3A_155 = arith.constant 1495815361 : i32
      %broadcast_in_dim3A_156 = vector.broadcast %jit3A_155 : i32 to vector<16xi32>
      %select_n3A_157 = arith.select %eq3A_154, %broadcast_in_dim3A_156, %select_n3A_151 : vector<16xi1>, vector<16xi32>
      %eq3A_158 = arith.constant 8 : i32
      %eq3A_159 = vector.broadcast %eq3A_158 : i32 to vector<16xi32>
      %eq3A_160 = arith.cmpi eq, %iota3A_107, %eq3A_159 : vector<16xi32>
      %jit3A_161 = arith.constant -284824306 : i32
      %broadcast_in_dim3A_162 = vector.broadcast %jit3A_161 : i32 to vector<16xi32>
      %select_n3A_163 = arith.select %eq3A_160, %broadcast_in_dim3A_162, %select_n3A_157 : vector<16xi1>, vector<16xi32>
      %eq3A_164 = arith.constant 9 : i32
      %eq3A_165 = vector.broadcast %eq3A_164 : i32 to vector<16xi32>
      %eq3A_166 = arith.cmpi eq, %iota3A_107, %eq3A_165 : vector<16xi32>
      %jit3A_167 = arith.constant 1302467950 : i32
      %broadcast_in_dim3A_168 = vector.broadcast %jit3A_167 : i32 to vector<16xi32>
      %select_n3A_169 = arith.select %eq3A_166, %broadcast_in_dim3A_168, %select_n3A_163 : vector<16xi1>, vector<16xi32>
      %eq3A_170 = arith.constant 10 : i32
      %eq3A_171 = vector.broadcast %eq3A_170 : i32 to vector<16xi32>
      %eq3A_172 = arith.cmpi eq, %iota3A_107, %eq3A_171 : vector<16xi32>
      %jit3A_173 = arith.constant 850623499 : i32
      %broadcast_in_dim3A_174 = vector.broadcast %jit3A_173 : i32 to vector<16xi32>
      %select_n3A_175 = arith.select %eq3A_172, %broadcast_in_dim3A_174, %select_n3A_169 : vector<16xi1>, vector<16xi32>
      %eq3A_176 = arith.constant 11 : i32
      %eq3A_177 = vector.broadcast %eq3A_176 : i32 to vector<16xi32>
      %eq3A_178 = arith.cmpi eq, %iota3A_107, %eq3A_177 : vector<16xi32>
      %jit3A_179 = arith.constant 609676677 : i32
      %broadcast_in_dim3A_180 = vector.broadcast %jit3A_179 : i32 to vector<16xi32>
      %select_n3A_181 = arith.select %eq3A_178, %broadcast_in_dim3A_180, %select_n3A_175 : vector<16xi1>, vector<16xi32>
      %eq3A_182 = arith.constant 12 : i32
      %eq3A_183 = vector.broadcast %eq3A_182 : i32 to vector<16xi32>
      %eq3A_184 = arith.cmpi eq, %iota3A_107, %eq3A_183 : vector<16xi32>
      %jit3A_185 = arith.constant 1353429927 : i32
      %broadcast_in_dim3A_186 = vector.broadcast %jit3A_185 : i32 to vector<16xi32>
      %select_n3A_187 = arith.select %eq3A_184, %broadcast_in_dim3A_186, %select_n3A_181 : vector<16xi1>, vector<16xi32>
      %eq3A_188 = arith.constant 13 : i32
      %eq3A_189 = vector.broadcast %eq3A_188 : i32 to vector<16xi32>
      %eq3A_190 = arith.cmpi eq, %iota3A_107, %eq3A_189 : vector<16xi32>
      %jit3A_191 = arith.constant -956705758 : i32
      %broadcast_in_dim3A_192 = vector.broadcast %jit3A_191 : i32 to vector<16xi32>
      %select_n3A_193 = arith.select %eq3A_190, %broadcast_in_dim3A_192, %select_n3A_187 : vector<16xi1>, vector<16xi32>
      %eq3A_194 = arith.constant 14 : i32
      %eq3A_195 = vector.broadcast %eq3A_194 : i32 to vector<16xi32>
      %eq3A_196 = arith.cmpi eq, %iota3A_107, %eq3A_195 : vector<16xi32>
      %jit3A_197 = arith.constant -845037862 : i32
      %broadcast_in_dim3A_198 = vector.broadcast %jit3A_197 : i32 to vector<16xi32>
      %select_n3A_199 = arith.select %eq3A_196, %broadcast_in_dim3A_198, %select_n3A_193 : vector<16xi1>, vector<16xi32>
      %eq3A_200 = arith.constant 15 : i32
      %eq3A_201 = vector.broadcast %eq3A_200 : i32 to vector<16xi32>
      %eq3A_202 = arith.cmpi eq, %iota3A_107, %eq3A_201 : vector<16xi32>
      %jit3A_203 = arith.constant 1789448280 : i32
      %broadcast_in_dim3A_204 = vector.broadcast %jit3A_203 : i32 to vector<16xi32>
      %select_n3A_205 = arith.select %eq3A_202, %broadcast_in_dim3A_204, %select_n3A_199 : vector<16xi1>, vector<16xi32>
      %broadcast_in_dim3A_206 = arith.constant 0 : i32
      %broadcast_in_dim3A_207 = vector.broadcast %broadcast_in_dim3A_206 : i32 to vector<16xi32>
      %mul3A = arith.constant 2 : i32
      %mul3A_208 = arith.muli %mul3A, %arg1 : i32
      %add3A = vector.broadcast %mul3A_208 : i32 to vector<16xi32>
      %add3A_209 = arith.addi %broadcast_in_dim3A_207, %add3A : vector<16xi32>
      %broadcast_in_dim3A_210 = arith.constant 0 : i32
      %broadcast_in_dim3A_211 = vector.broadcast %broadcast_in_dim3A_210 : i32 to vector<16xi32>
      %xor3A = arith.xori %select_n3A_106, %select_n3A_205 : vector<16xi32>
      %xor3A_212 = arith.constant 466688986 : i32
      %xor3A_213 = vector.broadcast %xor3A_212 : i32 to vector<16xi32>
      %xor3A_214 = arith.xori %xor3A, %xor3A_213 : vector<16xi32>
      %add3A_215 = arith.addi %broadcast_in_dim3A_211, %select_n3A_106 : vector<16xi32>
      %add3A_216 = arith.addi %add3A_209, %select_n3A_205 : vector<16xi32>
      %add3A_217 = arith.addi %add3A_215, %add3A_216 : vector<16xi32>
      %shift_left3A = arith.constant 13 : i32
      %shift_left3A_218 = vector.broadcast %shift_left3A : i32 to vector<16xi32>
      %shift_left3A_219 = arith.shli %add3A_216, %shift_left3A_218 : vector<16xi32>
      %shift_right_logical3A = arith.constant 19 : i32
      %shift_right_logical3A_220 = vector.broadcast %shift_right_logical3A : i32 to vector<16xi32>
      %shift_right_logical3A_221 = arith.shrui %add3A_216, %shift_right_logical3A_220 : vector<16xi32>
      %or3A = arith.ori %shift_left3A_219, %shift_right_logical3A_221 : vector<16xi32>
      %xor3A_222 = arith.xori %or3A, %add3A_217 : vector<16xi32>
      %add3A_223 = arith.addi %add3A_217, %xor3A_222 : vector<16xi32>
      %shift_left3A_224 = arith.constant 15 : i32
      %shift_left3A_225 = vector.broadcast %shift_left3A_224 : i32 to vector<16xi32>
      %shift_left3A_226 = arith.shli %xor3A_222, %shift_left3A_225 : vector<16xi32>
      %shift_right_logical3A_227 = arith.constant 17 : i32
      %shift_right_logical3A_228 = vector.broadcast %shift_right_logical3A_227 : i32 to vector<16xi32>
      %shift_right_logical3A_229 = arith.shrui %xor3A_222, %shift_right_logical3A_228 : vector<16xi32>
      %or3A_230 = arith.ori %shift_left3A_226, %shift_right_logical3A_229 : vector<16xi32>
      %xor3A_231 = arith.xori %or3A_230, %add3A_223 : vector<16xi32>
      %add3A_232 = arith.addi %add3A_223, %xor3A_231 : vector<16xi32>
      %shift_left3A_233 = arith.constant 26 : i32
      %shift_left3A_234 = vector.broadcast %shift_left3A_233 : i32 to vector<16xi32>
      %shift_left3A_235 = arith.shli %xor3A_231, %shift_left3A_234 : vector<16xi32>
      %shift_right_logical3A_236 = arith.constant 6 : i32
      %shift_right_logical3A_237 = vector.broadcast %shift_right_logical3A_236 : i32 to vector<16xi32>
      %shift_right_logical3A_238 = arith.shrui %xor3A_231, %shift_right_logical3A_237 : vector<16xi32>
      %or3A_239 = arith.ori %shift_left3A_235, %shift_right_logical3A_238 : vector<16xi32>
      %xor3A_240 = arith.xori %or3A_239, %add3A_232 : vector<16xi32>
      %add3A_241 = arith.addi %add3A_232, %xor3A_240 : vector<16xi32>
      %shift_left3A_242 = arith.constant 6 : i32
      %shift_left3A_243 = vector.broadcast %shift_left3A_242 : i32 to vector<16xi32>
      %shift_left3A_244 = arith.shli %xor3A_240, %shift_left3A_243 : vector<16xi32>
      %shift_right_logical3A_245 = arith.constant 26 : i32
      %shift_right_logical3A_246 = vector.broadcast %shift_right_logical3A_245 : i32 to vector<16xi32>
      %shift_right_logical3A_247 = arith.shrui %xor3A_240, %shift_right_logical3A_246 : vector<16xi32>
      %or3A_248 = arith.ori %shift_left3A_244, %shift_right_logical3A_247 : vector<16xi32>
      %xor3A_249 = arith.xori %or3A_248, %add3A_241 : vector<16xi32>
      %add3A_250 = arith.addi %add3A_241, %select_n3A_205 : vector<16xi32>
      %add3A_251 = arith.addi %xor3A_249, %xor3A_214 : vector<16xi32>
      %add3A_252 = arith.constant 1 : i32
      %add3A_253 = vector.broadcast %add3A_252 : i32 to vector<16xi32>
      %add3A_254 = arith.addi %add3A_251, %add3A_253 : vector<16xi32>
      %add3A_255 = arith.addi %add3A_250, %add3A_254 : vector<16xi32>
      %shift_left3A_256 = arith.constant 17 : i32
      %shift_left3A_257 = vector.broadcast %shift_left3A_256 : i32 to vector<16xi32>
      %shift_left3A_258 = arith.shli %add3A_254, %shift_left3A_257 : vector<16xi32>
      %shift_right_logical3A_259 = arith.constant 15 : i32
      %shift_right_logical3A_260 = vector.broadcast %shift_right_logical3A_259 : i32 to vector<16xi32>
      %shift_right_logical3A_261 = arith.shrui %add3A_254, %shift_right_logical3A_260 : vector<16xi32>
      %or3A_262 = arith.ori %shift_left3A_258, %shift_right_logical3A_261 : vector<16xi32>
      %xor3A_263 = arith.xori %or3A_262, %add3A_255 : vector<16xi32>
      %add3A_264 = arith.addi %add3A_255, %xor3A_263 : vector<16xi32>
      %shift_left3A_265 = arith.constant 29 : i32
      %shift_left3A_266 = vector.broadcast %shift_left3A_265 : i32 to vector<16xi32>
      %shift_left3A_267 = arith.shli %xor3A_263, %shift_left3A_266 : vector<16xi32>
      %shift_right_logical3A_268 = arith.constant 3 : i32
      %shift_right_logical3A_269 = vector.broadcast %shift_right_logical3A_268 : i32 to vector<16xi32>
      %shift_right_logical3A_270 = arith.shrui %xor3A_263, %shift_right_logical3A_269 : vector<16xi32>
      %or3A_271 = arith.ori %shift_left3A_267, %shift_right_logical3A_270 : vector<16xi32>
      %xor3A_272 = arith.xori %or3A_271, %add3A_264 : vector<16xi32>
      %add3A_273 = arith.addi %add3A_264, %xor3A_272 : vector<16xi32>
      %shift_left3A_274 = arith.constant 16 : i32
      %shift_left3A_275 = vector.broadcast %shift_left3A_274 : i32 to vector<16xi32>
      %shift_left3A_276 = arith.shli %xor3A_272, %shift_left3A_275 : vector<16xi32>
      %shift_right_logical3A_277 = arith.constant 16 : i32
      %shift_right_logical3A_278 = vector.broadcast %shift_right_logical3A_277 : i32 to vector<16xi32>
      %shift_right_logical3A_279 = arith.shrui %xor3A_272, %shift_right_logical3A_278 : vector<16xi32>
      %or3A_280 = arith.ori %shift_left3A_276, %shift_right_logical3A_279 : vector<16xi32>
      %xor3A_281 = arith.xori %or3A_280, %add3A_273 : vector<16xi32>
      %add3A_282 = arith.addi %add3A_273, %xor3A_281 : vector<16xi32>
      %shift_left3A_283 = arith.constant 24 : i32
      %shift_left3A_284 = vector.broadcast %shift_left3A_283 : i32 to vector<16xi32>
      %shift_left3A_285 = arith.shli %xor3A_281, %shift_left3A_284 : vector<16xi32>
      %shift_right_logical3A_286 = arith.constant 8 : i32
      %shift_right_logical3A_287 = vector.broadcast %shift_right_logical3A_286 : i32 to vector<16xi32>
      %shift_right_logical3A_288 = arith.shrui %xor3A_281, %shift_right_logical3A_287 : vector<16xi32>
      %or3A_289 = arith.ori %shift_left3A_285, %shift_right_logical3A_288 : vector<16xi32>
      %xor3A_290 = arith.xori %or3A_289, %add3A_282 : vector<16xi32>
      %add3A_291 = arith.addi %add3A_282, %xor3A_214 : vector<16xi32>
      %add3A_292 = arith.addi %xor3A_290, %select_n3A_106 : vector<16xi32>
      %add3A_293 = arith.constant 2 : i32
      %add3A_294 = vector.broadcast %add3A_293 : i32 to vector<16xi32>
      %add3A_295 = arith.addi %add3A_292, %add3A_294 : vector<16xi32>
      %add3A_296 = arith.addi %add3A_291, %add3A_295 : vector<16xi32>
      %shift_left3A_297 = arith.constant 13 : i32
      %shift_left3A_298 = vector.broadcast %shift_left3A_297 : i32 to vector<16xi32>
      %shift_left3A_299 = arith.shli %add3A_295, %shift_left3A_298 : vector<16xi32>
      %shift_right_logical3A_300 = arith.constant 19 : i32
      %shift_right_logical3A_301 = vector.broadcast %shift_right_logical3A_300 : i32 to vector<16xi32>
      %shift_right_logical3A_302 = arith.shrui %add3A_295, %shift_right_logical3A_301 : vector<16xi32>
      %or3A_303 = arith.ori %shift_left3A_299, %shift_right_logical3A_302 : vector<16xi32>
      %xor3A_304 = arith.xori %or3A_303, %add3A_296 : vector<16xi32>
      %add3A_305 = arith.addi %add3A_296, %xor3A_304 : vector<16xi32>
      %shift_left3A_306 = arith.constant 15 : i32
      %shift_left3A_307 = vector.broadcast %shift_left3A_306 : i32 to vector<16xi32>
      %shift_left3A_308 = arith.shli %xor3A_304, %shift_left3A_307 : vector<16xi32>
      %shift_right_logical3A_309 = arith.constant 17 : i32
      %shift_right_logical3A_310 = vector.broadcast %shift_right_logical3A_309 : i32 to vector<16xi32>
      %shift_right_logical3A_311 = arith.shrui %xor3A_304, %shift_right_logical3A_310 : vector<16xi32>
      %or3A_312 = arith.ori %shift_left3A_308, %shift_right_logical3A_311 : vector<16xi32>
      %xor3A_313 = arith.xori %or3A_312, %add3A_305 : vector<16xi32>
      %add3A_314 = arith.addi %add3A_305, %xor3A_313 : vector<16xi32>
      %shift_left3A_315 = arith.constant 26 : i32
      %shift_left3A_316 = vector.broadcast %shift_left3A_315 : i32 to vector<16xi32>
      %shift_left3A_317 = arith.shli %xor3A_313, %shift_left3A_316 : vector<16xi32>
      %shift_right_logical3A_318 = arith.constant 6 : i32
      %shift_right_logical3A_319 = vector.broadcast %shift_right_logical3A_318 : i32 to vector<16xi32>
      %shift_right_logical3A_320 = arith.shrui %xor3A_313, %shift_right_logical3A_319 : vector<16xi32>
      %or3A_321 = arith.ori %shift_left3A_317, %shift_right_logical3A_320 : vector<16xi32>
      %xor3A_322 = arith.xori %or3A_321, %add3A_314 : vector<16xi32>
      %add3A_323 = arith.addi %add3A_314, %xor3A_322 : vector<16xi32>
      %shift_left3A_324 = arith.constant 6 : i32
      %shift_left3A_325 = vector.broadcast %shift_left3A_324 : i32 to vector<16xi32>
      %shift_left3A_326 = arith.shli %xor3A_322, %shift_left3A_325 : vector<16xi32>
      %shift_right_logical3A_327 = arith.constant 26 : i32
      %shift_right_logical3A_328 = vector.broadcast %shift_right_logical3A_327 : i32 to vector<16xi32>
      %shift_right_logical3A_329 = arith.shrui %xor3A_322, %shift_right_logical3A_328 : vector<16xi32>
      %or3A_330 = arith.ori %shift_left3A_326, %shift_right_logical3A_329 : vector<16xi32>
      %xor3A_331 = arith.xori %or3A_330, %add3A_323 : vector<16xi32>
      %add3A_332 = arith.addi %add3A_323, %select_n3A_106 : vector<16xi32>
      %add3A_333 = arith.addi %xor3A_331, %select_n3A_205 : vector<16xi32>
      %add3A_334 = arith.constant 3 : i32
      %add3A_335 = vector.broadcast %add3A_334 : i32 to vector<16xi32>
      %add3A_336 = arith.addi %add3A_333, %add3A_335 : vector<16xi32>
      %add3A_337 = arith.addi %add3A_332, %add3A_336 : vector<16xi32>
      %shift_left3A_338 = arith.constant 17 : i32
      %shift_left3A_339 = vector.broadcast %shift_left3A_338 : i32 to vector<16xi32>
      %shift_left3A_340 = arith.shli %add3A_336, %shift_left3A_339 : vector<16xi32>
      %shift_right_logical3A_341 = arith.constant 15 : i32
      %shift_right_logical3A_342 = vector.broadcast %shift_right_logical3A_341 : i32 to vector<16xi32>
      %shift_right_logical3A_343 = arith.shrui %add3A_336, %shift_right_logical3A_342 : vector<16xi32>
      %or3A_344 = arith.ori %shift_left3A_340, %shift_right_logical3A_343 : vector<16xi32>
      %xor3A_345 = arith.xori %or3A_344, %add3A_337 : vector<16xi32>
      %add3A_346 = arith.addi %add3A_337, %xor3A_345 : vector<16xi32>
      %shift_left3A_347 = arith.constant 29 : i32
      %shift_left3A_348 = vector.broadcast %shift_left3A_347 : i32 to vector<16xi32>
      %shift_left3A_349 = arith.shli %xor3A_345, %shift_left3A_348 : vector<16xi32>
      %shift_right_logical3A_350 = arith.constant 3 : i32
      %shift_right_logical3A_351 = vector.broadcast %shift_right_logical3A_350 : i32 to vector<16xi32>
      %shift_right_logical3A_352 = arith.shrui %xor3A_345, %shift_right_logical3A_351 : vector<16xi32>
      %or3A_353 = arith.ori %shift_left3A_349, %shift_right_logical3A_352 : vector<16xi32>
      %xor3A_354 = arith.xori %or3A_353, %add3A_346 : vector<16xi32>
      %add3A_355 = arith.addi %add3A_346, %xor3A_354 : vector<16xi32>
      %shift_left3A_356 = arith.constant 16 : i32
      %shift_left3A_357 = vector.broadcast %shift_left3A_356 : i32 to vector<16xi32>
      %shift_left3A_358 = arith.shli %xor3A_354, %shift_left3A_357 : vector<16xi32>
      %shift_right_logical3A_359 = arith.constant 16 : i32
      %shift_right_logical3A_360 = vector.broadcast %shift_right_logical3A_359 : i32 to vector<16xi32>
      %shift_right_logical3A_361 = arith.shrui %xor3A_354, %shift_right_logical3A_360 : vector<16xi32>
      %or3A_362 = arith.ori %shift_left3A_358, %shift_right_logical3A_361 : vector<16xi32>
      %xor3A_363 = arith.xori %or3A_362, %add3A_355 : vector<16xi32>
      %add3A_364 = arith.addi %add3A_355, %xor3A_363 : vector<16xi32>
      %shift_left3A_365 = arith.constant 24 : i32
      %shift_left3A_366 = vector.broadcast %shift_left3A_365 : i32 to vector<16xi32>
      %shift_left3A_367 = arith.shli %xor3A_363, %shift_left3A_366 : vector<16xi32>
      %shift_right_logical3A_368 = arith.constant 8 : i32
      %shift_right_logical3A_369 = vector.broadcast %shift_right_logical3A_368 : i32 to vector<16xi32>
      %shift_right_logical3A_370 = arith.shrui %xor3A_363, %shift_right_logical3A_369 : vector<16xi32>
      %or3A_371 = arith.ori %shift_left3A_367, %shift_right_logical3A_370 : vector<16xi32>
      %xor3A_372 = arith.xori %or3A_371, %add3A_364 : vector<16xi32>
      %add3A_373 = arith.addi %add3A_364, %select_n3A_205 : vector<16xi32>
      %add3A_374 = arith.addi %xor3A_372, %xor3A_214 : vector<16xi32>
      %add3A_375 = arith.constant 4 : i32
      %add3A_376 = vector.broadcast %add3A_375 : i32 to vector<16xi32>
      %add3A_377 = arith.addi %add3A_374, %add3A_376 : vector<16xi32>
      %add3A_378 = arith.addi %add3A_373, %add3A_377 : vector<16xi32>
      %shift_left3A_379 = arith.constant 13 : i32
      %shift_left3A_380 = vector.broadcast %shift_left3A_379 : i32 to vector<16xi32>
      %shift_left3A_381 = arith.shli %add3A_377, %shift_left3A_380 : vector<16xi32>
      %shift_right_logical3A_382 = arith.constant 19 : i32
      %shift_right_logical3A_383 = vector.broadcast %shift_right_logical3A_382 : i32 to vector<16xi32>
      %shift_right_logical3A_384 = arith.shrui %add3A_377, %shift_right_logical3A_383 : vector<16xi32>
      %or3A_385 = arith.ori %shift_left3A_381, %shift_right_logical3A_384 : vector<16xi32>
      %xor3A_386 = arith.xori %or3A_385, %add3A_378 : vector<16xi32>
      %add3A_387 = arith.addi %add3A_378, %xor3A_386 : vector<16xi32>
      %shift_left3A_388 = arith.constant 15 : i32
      %shift_left3A_389 = vector.broadcast %shift_left3A_388 : i32 to vector<16xi32>
      %shift_left3A_390 = arith.shli %xor3A_386, %shift_left3A_389 : vector<16xi32>
      %shift_right_logical3A_391 = arith.constant 17 : i32
      %shift_right_logical3A_392 = vector.broadcast %shift_right_logical3A_391 : i32 to vector<16xi32>
      %shift_right_logical3A_393 = arith.shrui %xor3A_386, %shift_right_logical3A_392 : vector<16xi32>
      %or3A_394 = arith.ori %shift_left3A_390, %shift_right_logical3A_393 : vector<16xi32>
      %xor3A_395 = arith.xori %or3A_394, %add3A_387 : vector<16xi32>
      %add3A_396 = arith.addi %add3A_387, %xor3A_395 : vector<16xi32>
      %shift_left3A_397 = arith.constant 26 : i32
      %shift_left3A_398 = vector.broadcast %shift_left3A_397 : i32 to vector<16xi32>
      %shift_left3A_399 = arith.shli %xor3A_395, %shift_left3A_398 : vector<16xi32>
      %shift_right_logical3A_400 = arith.constant 6 : i32
      %shift_right_logical3A_401 = vector.broadcast %shift_right_logical3A_400 : i32 to vector<16xi32>
      %shift_right_logical3A_402 = arith.shrui %xor3A_395, %shift_right_logical3A_401 : vector<16xi32>
      %or3A_403 = arith.ori %shift_left3A_399, %shift_right_logical3A_402 : vector<16xi32>
      %xor3A_404 = arith.xori %or3A_403, %add3A_396 : vector<16xi32>
      %add3A_405 = arith.addi %add3A_396, %xor3A_404 : vector<16xi32>
      %shift_left3A_406 = arith.constant 6 : i32
      %shift_left3A_407 = vector.broadcast %shift_left3A_406 : i32 to vector<16xi32>
      %shift_left3A_408 = arith.shli %xor3A_404, %shift_left3A_407 : vector<16xi32>
      %shift_right_logical3A_409 = arith.constant 26 : i32
      %shift_right_logical3A_410 = vector.broadcast %shift_right_logical3A_409 : i32 to vector<16xi32>
      %shift_right_logical3A_411 = arith.shrui %xor3A_404, %shift_right_logical3A_410 : vector<16xi32>
      %or3A_412 = arith.ori %shift_left3A_408, %shift_right_logical3A_411 : vector<16xi32>
      %xor3A_413 = arith.xori %or3A_412, %add3A_405 : vector<16xi32>
      %add3A_414 = arith.addi %add3A_405, %xor3A_214 : vector<16xi32>
      %add3A_415 = arith.addi %xor3A_413, %select_n3A_106 : vector<16xi32>
      %add3A_416 = arith.constant 5 : i32
      %add3A_417 = vector.broadcast %add3A_416 : i32 to vector<16xi32>
      %add3A_418 = arith.addi %add3A_415, %add3A_417 : vector<16xi32>
      %xor3A_419 = arith.xori %add3A_414, %add3A_418 : vector<16xi32>
      %and3A = arith.constant 2047 : i32
      %and3A_420 = vector.broadcast %and3A : i32 to vector<16xi32>
      %and3A_421 = arith.andi %xor3A_419, %and3A_420 : vector<16xi32>
      %broadcast_in_dim3A_422 = arith.constant 0 : i32
      %broadcast_in_dim3A_423 = vector.broadcast %broadcast_in_dim3A_422 : i32 to vector<16xi32>
      %mul3A_424 = arith.constant 2 : i32
      %mul3A_425 = arith.muli %mul3A_424, %arg1 : i32
      %add3A_426 = vector.broadcast %mul3A_425 : i32 to vector<16xi32>
      %add3A_427 = arith.addi %broadcast_in_dim3A_423, %add3A_426 : vector<16xi32>
      %add3A_428 = arith.constant 1 : i32
      %add3A_429 = vector.broadcast %add3A_428 : i32 to vector<16xi32>
      %add3A_430 = arith.addi %add3A_427, %add3A_429 : vector<16xi32>
      %broadcast_in_dim3A_431 = arith.constant 0 : i32
      %broadcast_in_dim3A_432 = vector.broadcast %broadcast_in_dim3A_431 : i32 to vector<16xi32>
      %xor3A_433 = arith.xori %select_n3A_106, %select_n3A_205 : vector<16xi32>
      %xor3A_434 = arith.constant 466688986 : i32
      %xor3A_435 = vector.broadcast %xor3A_434 : i32 to vector<16xi32>
      %xor3A_436 = arith.xori %xor3A_433, %xor3A_435 : vector<16xi32>
      %add3A_437 = arith.addi %broadcast_in_dim3A_432, %select_n3A_106 : vector<16xi32>
      %add3A_438 = arith.addi %add3A_430, %select_n3A_205 : vector<16xi32>
      %add3A_439 = arith.addi %add3A_437, %add3A_438 : vector<16xi32>
      %shift_left3A_440 = arith.constant 13 : i32
      %shift_left3A_441 = vector.broadcast %shift_left3A_440 : i32 to vector<16xi32>
      %shift_left3A_442 = arith.shli %add3A_438, %shift_left3A_441 : vector<16xi32>
      %shift_right_logical3A_443 = arith.constant 19 : i32
      %shift_right_logical3A_444 = vector.broadcast %shift_right_logical3A_443 : i32 to vector<16xi32>
      %shift_right_logical3A_445 = arith.shrui %add3A_438, %shift_right_logical3A_444 : vector<16xi32>
      %or3A_446 = arith.ori %shift_left3A_442, %shift_right_logical3A_445 : vector<16xi32>
      %xor3A_447 = arith.xori %or3A_446, %add3A_439 : vector<16xi32>
      %add3A_448 = arith.addi %add3A_439, %xor3A_447 : vector<16xi32>
      %shift_left3A_449 = arith.constant 15 : i32
      %shift_left3A_450 = vector.broadcast %shift_left3A_449 : i32 to vector<16xi32>
      %shift_left3A_451 = arith.shli %xor3A_447, %shift_left3A_450 : vector<16xi32>
      %shift_right_logical3A_452 = arith.constant 17 : i32
      %shift_right_logical3A_453 = vector.broadcast %shift_right_logical3A_452 : i32 to vector<16xi32>
      %shift_right_logical3A_454 = arith.shrui %xor3A_447, %shift_right_logical3A_453 : vector<16xi32>
      %or3A_455 = arith.ori %shift_left3A_451, %shift_right_logical3A_454 : vector<16xi32>
      %xor3A_456 = arith.xori %or3A_455, %add3A_448 : vector<16xi32>
      %add3A_457 = arith.addi %add3A_448, %xor3A_456 : vector<16xi32>
      %shift_left3A_458 = arith.constant 26 : i32
      %shift_left3A_459 = vector.broadcast %shift_left3A_458 : i32 to vector<16xi32>
      %shift_left3A_460 = arith.shli %xor3A_456, %shift_left3A_459 : vector<16xi32>
      %shift_right_logical3A_461 = arith.constant 6 : i32
      %shift_right_logical3A_462 = vector.broadcast %shift_right_logical3A_461 : i32 to vector<16xi32>
      %shift_right_logical3A_463 = arith.shrui %xor3A_456, %shift_right_logical3A_462 : vector<16xi32>
      %or3A_464 = arith.ori %shift_left3A_460, %shift_right_logical3A_463 : vector<16xi32>
      %xor3A_465 = arith.xori %or3A_464, %add3A_457 : vector<16xi32>
      %add3A_466 = arith.addi %add3A_457, %xor3A_465 : vector<16xi32>
      %shift_left3A_467 = arith.constant 6 : i32
      %shift_left3A_468 = vector.broadcast %shift_left3A_467 : i32 to vector<16xi32>
      %shift_left3A_469 = arith.shli %xor3A_465, %shift_left3A_468 : vector<16xi32>
      %shift_right_logical3A_470 = arith.constant 26 : i32
      %shift_right_logical3A_471 = vector.broadcast %shift_right_logical3A_470 : i32 to vector<16xi32>
      %shift_right_logical3A_472 = arith.shrui %xor3A_465, %shift_right_logical3A_471 : vector<16xi32>
      %or3A_473 = arith.ori %shift_left3A_469, %shift_right_logical3A_472 : vector<16xi32>
      %xor3A_474 = arith.xori %or3A_473, %add3A_466 : vector<16xi32>
      %add3A_475 = arith.addi %add3A_466, %select_n3A_205 : vector<16xi32>
      %add3A_476 = arith.addi %xor3A_474, %xor3A_436 : vector<16xi32>
      %add3A_477 = arith.constant 1 : i32
      %add3A_478 = vector.broadcast %add3A_477 : i32 to vector<16xi32>
      %add3A_479 = arith.addi %add3A_476, %add3A_478 : vector<16xi32>
      %add3A_480 = arith.addi %add3A_475, %add3A_479 : vector<16xi32>
      %shift_left3A_481 = arith.constant 17 : i32
      %shift_left3A_482 = vector.broadcast %shift_left3A_481 : i32 to vector<16xi32>
      %shift_left3A_483 = arith.shli %add3A_479, %shift_left3A_482 : vector<16xi32>
      %shift_right_logical3A_484 = arith.constant 15 : i32
      %shift_right_logical3A_485 = vector.broadcast %shift_right_logical3A_484 : i32 to vector<16xi32>
      %shift_right_logical3A_486 = arith.shrui %add3A_479, %shift_right_logical3A_485 : vector<16xi32>
      %or3A_487 = arith.ori %shift_left3A_483, %shift_right_logical3A_486 : vector<16xi32>
      %xor3A_488 = arith.xori %or3A_487, %add3A_480 : vector<16xi32>
      %add3A_489 = arith.addi %add3A_480, %xor3A_488 : vector<16xi32>
      %shift_left3A_490 = arith.constant 29 : i32
      %shift_left3A_491 = vector.broadcast %shift_left3A_490 : i32 to vector<16xi32>
      %shift_left3A_492 = arith.shli %xor3A_488, %shift_left3A_491 : vector<16xi32>
      %shift_right_logical3A_493 = arith.constant 3 : i32
      %shift_right_logical3A_494 = vector.broadcast %shift_right_logical3A_493 : i32 to vector<16xi32>
      %shift_right_logical3A_495 = arith.shrui %xor3A_488, %shift_right_logical3A_494 : vector<16xi32>
      %or3A_496 = arith.ori %shift_left3A_492, %shift_right_logical3A_495 : vector<16xi32>
      %xor3A_497 = arith.xori %or3A_496, %add3A_489 : vector<16xi32>
      %add3A_498 = arith.addi %add3A_489, %xor3A_497 : vector<16xi32>
      %shift_left3A_499 = arith.constant 16 : i32
      %shift_left3A_500 = vector.broadcast %shift_left3A_499 : i32 to vector<16xi32>
      %shift_left3A_501 = arith.shli %xor3A_497, %shift_left3A_500 : vector<16xi32>
      %shift_right_logical3A_502 = arith.constant 16 : i32
      %shift_right_logical3A_503 = vector.broadcast %shift_right_logical3A_502 : i32 to vector<16xi32>
      %shift_right_logical3A_504 = arith.shrui %xor3A_497, %shift_right_logical3A_503 : vector<16xi32>
      %or3A_505 = arith.ori %shift_left3A_501, %shift_right_logical3A_504 : vector<16xi32>
      %xor3A_506 = arith.xori %or3A_505, %add3A_498 : vector<16xi32>
      %add3A_507 = arith.addi %add3A_498, %xor3A_506 : vector<16xi32>
      %shift_left3A_508 = arith.constant 24 : i32
      %shift_left3A_509 = vector.broadcast %shift_left3A_508 : i32 to vector<16xi32>
      %shift_left3A_510 = arith.shli %xor3A_506, %shift_left3A_509 : vector<16xi32>
      %shift_right_logical3A_511 = arith.constant 8 : i32
      %shift_right_logical3A_512 = vector.broadcast %shift_right_logical3A_511 : i32 to vector<16xi32>
      %shift_right_logical3A_513 = arith.shrui %xor3A_506, %shift_right_logical3A_512 : vector<16xi32>
      %or3A_514 = arith.ori %shift_left3A_510, %shift_right_logical3A_513 : vector<16xi32>
      %xor3A_515 = arith.xori %or3A_514, %add3A_507 : vector<16xi32>
      %add3A_516 = arith.addi %add3A_507, %xor3A_436 : vector<16xi32>
      %add3A_517 = arith.addi %xor3A_515, %select_n3A_106 : vector<16xi32>
      %add3A_518 = arith.constant 2 : i32
      %add3A_519 = vector.broadcast %add3A_518 : i32 to vector<16xi32>
      %add3A_520 = arith.addi %add3A_517, %add3A_519 : vector<16xi32>
      %add3A_521 = arith.addi %add3A_516, %add3A_520 : vector<16xi32>
      %shift_left3A_522 = arith.constant 13 : i32
      %shift_left3A_523 = vector.broadcast %shift_left3A_522 : i32 to vector<16xi32>
      %shift_left3A_524 = arith.shli %add3A_520, %shift_left3A_523 : vector<16xi32>
      %shift_right_logical3A_525 = arith.constant 19 : i32
      %shift_right_logical3A_526 = vector.broadcast %shift_right_logical3A_525 : i32 to vector<16xi32>
      %shift_right_logical3A_527 = arith.shrui %add3A_520, %shift_right_logical3A_526 : vector<16xi32>
      %or3A_528 = arith.ori %shift_left3A_524, %shift_right_logical3A_527 : vector<16xi32>
      %xor3A_529 = arith.xori %or3A_528, %add3A_521 : vector<16xi32>
      %add3A_530 = arith.addi %add3A_521, %xor3A_529 : vector<16xi32>
      %shift_left3A_531 = arith.constant 15 : i32
      %shift_left3A_532 = vector.broadcast %shift_left3A_531 : i32 to vector<16xi32>
      %shift_left3A_533 = arith.shli %xor3A_529, %shift_left3A_532 : vector<16xi32>
      %shift_right_logical3A_534 = arith.constant 17 : i32
      %shift_right_logical3A_535 = vector.broadcast %shift_right_logical3A_534 : i32 to vector<16xi32>
      %shift_right_logical3A_536 = arith.shrui %xor3A_529, %shift_right_logical3A_535 : vector<16xi32>
      %or3A_537 = arith.ori %shift_left3A_533, %shift_right_logical3A_536 : vector<16xi32>
      %xor3A_538 = arith.xori %or3A_537, %add3A_530 : vector<16xi32>
      %add3A_539 = arith.addi %add3A_530, %xor3A_538 : vector<16xi32>
      %shift_left3A_540 = arith.constant 26 : i32
      %shift_left3A_541 = vector.broadcast %shift_left3A_540 : i32 to vector<16xi32>
      %shift_left3A_542 = arith.shli %xor3A_538, %shift_left3A_541 : vector<16xi32>
      %shift_right_logical3A_543 = arith.constant 6 : i32
      %shift_right_logical3A_544 = vector.broadcast %shift_right_logical3A_543 : i32 to vector<16xi32>
      %shift_right_logical3A_545 = arith.shrui %xor3A_538, %shift_right_logical3A_544 : vector<16xi32>
      %or3A_546 = arith.ori %shift_left3A_542, %shift_right_logical3A_545 : vector<16xi32>
      %xor3A_547 = arith.xori %or3A_546, %add3A_539 : vector<16xi32>
      %add3A_548 = arith.addi %add3A_539, %xor3A_547 : vector<16xi32>
      %shift_left3A_549 = arith.constant 6 : i32
      %shift_left3A_550 = vector.broadcast %shift_left3A_549 : i32 to vector<16xi32>
      %shift_left3A_551 = arith.shli %xor3A_547, %shift_left3A_550 : vector<16xi32>
      %shift_right_logical3A_552 = arith.constant 26 : i32
      %shift_right_logical3A_553 = vector.broadcast %shift_right_logical3A_552 : i32 to vector<16xi32>
      %shift_right_logical3A_554 = arith.shrui %xor3A_547, %shift_right_logical3A_553 : vector<16xi32>
      %or3A_555 = arith.ori %shift_left3A_551, %shift_right_logical3A_554 : vector<16xi32>
      %xor3A_556 = arith.xori %or3A_555, %add3A_548 : vector<16xi32>
      %add3A_557 = arith.addi %add3A_548, %select_n3A_106 : vector<16xi32>
      %add3A_558 = arith.addi %xor3A_556, %select_n3A_205 : vector<16xi32>
      %add3A_559 = arith.constant 3 : i32
      %add3A_560 = vector.broadcast %add3A_559 : i32 to vector<16xi32>
      %add3A_561 = arith.addi %add3A_558, %add3A_560 : vector<16xi32>
      %add3A_562 = arith.addi %add3A_557, %add3A_561 : vector<16xi32>
      %shift_left3A_563 = arith.constant 17 : i32
      %shift_left3A_564 = vector.broadcast %shift_left3A_563 : i32 to vector<16xi32>
      %shift_left3A_565 = arith.shli %add3A_561, %shift_left3A_564 : vector<16xi32>
      %shift_right_logical3A_566 = arith.constant 15 : i32
      %shift_right_logical3A_567 = vector.broadcast %shift_right_logical3A_566 : i32 to vector<16xi32>
      %shift_right_logical3A_568 = arith.shrui %add3A_561, %shift_right_logical3A_567 : vector<16xi32>
      %or3A_569 = arith.ori %shift_left3A_565, %shift_right_logical3A_568 : vector<16xi32>
      %xor3A_570 = arith.xori %or3A_569, %add3A_562 : vector<16xi32>
      %add3A_571 = arith.addi %add3A_562, %xor3A_570 : vector<16xi32>
      %shift_left3A_572 = arith.constant 29 : i32
      %shift_left3A_573 = vector.broadcast %shift_left3A_572 : i32 to vector<16xi32>
      %shift_left3A_574 = arith.shli %xor3A_570, %shift_left3A_573 : vector<16xi32>
      %shift_right_logical3A_575 = arith.constant 3 : i32
      %shift_right_logical3A_576 = vector.broadcast %shift_right_logical3A_575 : i32 to vector<16xi32>
      %shift_right_logical3A_577 = arith.shrui %xor3A_570, %shift_right_logical3A_576 : vector<16xi32>
      %or3A_578 = arith.ori %shift_left3A_574, %shift_right_logical3A_577 : vector<16xi32>
      %xor3A_579 = arith.xori %or3A_578, %add3A_571 : vector<16xi32>
      %add3A_580 = arith.addi %add3A_571, %xor3A_579 : vector<16xi32>
      %shift_left3A_581 = arith.constant 16 : i32
      %shift_left3A_582 = vector.broadcast %shift_left3A_581 : i32 to vector<16xi32>
      %shift_left3A_583 = arith.shli %xor3A_579, %shift_left3A_582 : vector<16xi32>
      %shift_right_logical3A_584 = arith.constant 16 : i32
      %shift_right_logical3A_585 = vector.broadcast %shift_right_logical3A_584 : i32 to vector<16xi32>
      %shift_right_logical3A_586 = arith.shrui %xor3A_579, %shift_right_logical3A_585 : vector<16xi32>
      %or3A_587 = arith.ori %shift_left3A_583, %shift_right_logical3A_586 : vector<16xi32>
      %xor3A_588 = arith.xori %or3A_587, %add3A_580 : vector<16xi32>
      %add3A_589 = arith.addi %add3A_580, %xor3A_588 : vector<16xi32>
      %shift_left3A_590 = arith.constant 24 : i32
      %shift_left3A_591 = vector.broadcast %shift_left3A_590 : i32 to vector<16xi32>
      %shift_left3A_592 = arith.shli %xor3A_588, %shift_left3A_591 : vector<16xi32>
      %shift_right_logical3A_593 = arith.constant 8 : i32
      %shift_right_logical3A_594 = vector.broadcast %shift_right_logical3A_593 : i32 to vector<16xi32>
      %shift_right_logical3A_595 = arith.shrui %xor3A_588, %shift_right_logical3A_594 : vector<16xi32>
      %or3A_596 = arith.ori %shift_left3A_592, %shift_right_logical3A_595 : vector<16xi32>
      %xor3A_597 = arith.xori %or3A_596, %add3A_589 : vector<16xi32>
      %add3A_598 = arith.addi %add3A_589, %select_n3A_205 : vector<16xi32>
      %add3A_599 = arith.addi %xor3A_597, %xor3A_436 : vector<16xi32>
      %add3A_600 = arith.constant 4 : i32
      %add3A_601 = vector.broadcast %add3A_600 : i32 to vector<16xi32>
      %add3A_602 = arith.addi %add3A_599, %add3A_601 : vector<16xi32>
      %add3A_603 = arith.addi %add3A_598, %add3A_602 : vector<16xi32>
      %shift_left3A_604 = arith.constant 13 : i32
      %shift_left3A_605 = vector.broadcast %shift_left3A_604 : i32 to vector<16xi32>
      %shift_left3A_606 = arith.shli %add3A_602, %shift_left3A_605 : vector<16xi32>
      %shift_right_logical3A_607 = arith.constant 19 : i32
      %shift_right_logical3A_608 = vector.broadcast %shift_right_logical3A_607 : i32 to vector<16xi32>
      %shift_right_logical3A_609 = arith.shrui %add3A_602, %shift_right_logical3A_608 : vector<16xi32>
      %or3A_610 = arith.ori %shift_left3A_606, %shift_right_logical3A_609 : vector<16xi32>
      %xor3A_611 = arith.xori %or3A_610, %add3A_603 : vector<16xi32>
      %add3A_612 = arith.addi %add3A_603, %xor3A_611 : vector<16xi32>
      %shift_left3A_613 = arith.constant 15 : i32
      %shift_left3A_614 = vector.broadcast %shift_left3A_613 : i32 to vector<16xi32>
      %shift_left3A_615 = arith.shli %xor3A_611, %shift_left3A_614 : vector<16xi32>
      %shift_right_logical3A_616 = arith.constant 17 : i32
      %shift_right_logical3A_617 = vector.broadcast %shift_right_logical3A_616 : i32 to vector<16xi32>
      %shift_right_logical3A_618 = arith.shrui %xor3A_611, %shift_right_logical3A_617 : vector<16xi32>
      %or3A_619 = arith.ori %shift_left3A_615, %shift_right_logical3A_618 : vector<16xi32>
      %xor3A_620 = arith.xori %or3A_619, %add3A_612 : vector<16xi32>
      %add3A_621 = arith.addi %add3A_612, %xor3A_620 : vector<16xi32>
      %shift_left3A_622 = arith.constant 26 : i32
      %shift_left3A_623 = vector.broadcast %shift_left3A_622 : i32 to vector<16xi32>
      %shift_left3A_624 = arith.shli %xor3A_620, %shift_left3A_623 : vector<16xi32>
      %shift_right_logical3A_625 = arith.constant 6 : i32
      %shift_right_logical3A_626 = vector.broadcast %shift_right_logical3A_625 : i32 to vector<16xi32>
      %shift_right_logical3A_627 = arith.shrui %xor3A_620, %shift_right_logical3A_626 : vector<16xi32>
      %or3A_628 = arith.ori %shift_left3A_624, %shift_right_logical3A_627 : vector<16xi32>
      %xor3A_629 = arith.xori %or3A_628, %add3A_621 : vector<16xi32>
      %add3A_630 = arith.addi %add3A_621, %xor3A_629 : vector<16xi32>
      %shift_left3A_631 = arith.constant 6 : i32
      %shift_left3A_632 = vector.broadcast %shift_left3A_631 : i32 to vector<16xi32>
      %shift_left3A_633 = arith.shli %xor3A_629, %shift_left3A_632 : vector<16xi32>
      %shift_right_logical3A_634 = arith.constant 26 : i32
      %shift_right_logical3A_635 = vector.broadcast %shift_right_logical3A_634 : i32 to vector<16xi32>
      %shift_right_logical3A_636 = arith.shrui %xor3A_629, %shift_right_logical3A_635 : vector<16xi32>
      %or3A_637 = arith.ori %shift_left3A_633, %shift_right_logical3A_636 : vector<16xi32>
      %xor3A_638 = arith.xori %or3A_637, %add3A_630 : vector<16xi32>
      %add3A_639 = arith.addi %add3A_630, %xor3A_436 : vector<16xi32>
      %add3A_640 = arith.addi %xor3A_638, %select_n3A_106 : vector<16xi32>
      %add3A_641 = arith.constant 5 : i32
      %add3A_642 = vector.broadcast %add3A_641 : i32 to vector<16xi32>
      %add3A_643 = arith.addi %add3A_640, %add3A_642 : vector<16xi32>
      %xor3A_644 = arith.xori %add3A_639, %add3A_643 : vector<16xi32>
      %and3A_645 = arith.constant 2047 : i32
      %and3A_646 = vector.broadcast %and3A_645 : i32 to vector<16xi32>
      %and3A_647 = arith.andi %xor3A_644, %and3A_646 : vector<16xi32>
      %lt3A_648 = vector.broadcast %min3A_11 : i32 to vector<16xi32>
      %lt3A_649 = arith.cmpi slt, %iota3A, %lt3A_648 : vector<16xi32>
      %jit3A_650 = arith.constant 0 : i32
      %broadcast_in_dim3A_651 = vector.broadcast %jit3A_650 : i32 to vector<16xi32>
      %select_n3A_652 = arith.select %lt3A_649, %and3A_421, %broadcast_in_dim3A_651 : vector<16xi1>, vector<16xi32>
      %jit3A_653 = arith.constant 0 : i32
      %broadcast_in_dim3A_654 = vector.broadcast %jit3A_653 : i32 to vector<16xi32>
      %select_n3A_655 = arith.select %lt3A_649, %and3A_647, %broadcast_in_dim3A_654 : vector<16xi1>, vector<16xi32>
      %broadcast_in_dim3A_656 = arith.constant 0 : i32
      %broadcast_in_dim3A_657 = vector.broadcast %broadcast_in_dim3A_656 : i32 to vector<16x1xi32>
      %add3A_658 = arith.constant 0 : i32
      %add3A_659 = vector.broadcast %add3A_658 : i32 to vector<16x1xi32>
      %add3A_660 = arith.addi %broadcast_in_dim3A_657, %add3A_659 : vector<16x1xi32>
      %gather3A = vector.shape_cast %add3A_660 : vector<16x1xi32> to vector<16xi32>
      %gather3A_661 = tpu.dynamic_gather %select_n3A_652[%gather3A] in [0] : vector<16xi32>, vector<16xi32> -> vector<16xi32>
      %broadcast_in_dim3A_662 = arith.constant 0 : i32
      %broadcast_in_dim3A_663 = vector.broadcast %broadcast_in_dim3A_662 : i32 to vector<16x1xi32>
      %add3A_664 = arith.constant 0 : i32
      %add3A_665 = vector.broadcast %add3A_664 : i32 to vector<16x1xi32>
      %add3A_666 = arith.addi %broadcast_in_dim3A_663, %add3A_665 : vector<16x1xi32>
      %gather3A_667 = vector.shape_cast %add3A_666 : vector<16x1xi32> to vector<16xi32>
      %gather3A_668 = tpu.dynamic_gather %select_n3A_655[%gather3A_667] in [0] : vector<16xi32>, vector<16xi32> -> vector<16xi32>
      %broadcast_in_dim3A_669 = arith.constant 0 : i32
      %broadcast_in_dim3A_670 = vector.broadcast %broadcast_in_dim3A_669 : i32 to vector<16x1xi32>
      %add3A_671 = arith.constant 0 : i32
      %add3A_672 = vector.broadcast %add3A_671 : i32 to vector<16x1xi32>
      %add3A_673 = arith.addi %broadcast_in_dim3A_670, %add3A_672 : vector<16x1xi32>
      %gather3A_674 = vector.shape_cast %add3A_673 : vector<16x1xi32> to vector<16xi32>
      %gather3A_675 = tpu.dynamic_gather %select_n3A_652[%gather3A_674] in [0] : vector<16xi32>, vector<16xi32> -> vector<16xi32>
      %broadcast_in_dim3A_676 = arith.constant 0 : i32
      %broadcast_in_dim3A_677 = vector.broadcast %broadcast_in_dim3A_676 : i32 to vector<16x1xi32>
      %add3A_678 = arith.constant 0 : i32
      %add3A_679 = vector.broadcast %add3A_678 : i32 to vector<16x1xi32>
      %add3A_680 = arith.addi %broadcast_in_dim3A_677, %add3A_679 : vector<16x1xi32>
      %gather3A_681 = vector.shape_cast %add3A_680 : vector<16x1xi32> to vector<16xi32>
      %gather3A_682 = tpu.dynamic_gather %select_n3A_655[%gather3A_681] in [0] : vector<16xi32>, vector<16xi32> -> vector<16xi32>
      %eq3A_683 = arith.cmpi eq, %select_n3A_652, %gather3A_661 : vector<16xi32>
      %eq3A_684 = arith.cmpi eq, %select_n3A_652, %gather3A_668 : vector<16xi32>
      %select_n3A_685 = arith.select %eq3A_684, %gather3A_675, %select_n3A_652 : vector<16xi1>, vector<16xi32>
      %select_n3A_686 = arith.select %eq3A_683, %gather3A_682, %select_n3A_685 : vector<16xi1>, vector<16xi32>
      %eq3A_687 = arith.cmpi eq, %select_n3A_655, %gather3A_661 : vector<16xi32>
      %eq3A_688 = arith.cmpi eq, %select_n3A_655, %gather3A_668 : vector<16xi32>
      %select_n3A_689 = arith.select %eq3A_688, %gather3A_675, %select_n3A_655 : vector<16xi1>, vector<16xi32>
      %select_n3A_690 = arith.select %eq3A_687, %gather3A_682, %select_n3A_689 : vector<16xi1>, vector<16xi32>
      %broadcast_in_dim3A_691 = arith.constant 0 : i32
      %broadcast_in_dim3A_692 = vector.broadcast %broadcast_in_dim3A_691 : i32 to vector<16x1xi32>
      %add3A_693 = arith.constant 1 : i32
      %add3A_694 = vector.broadcast %add3A_693 : i32 to vector<16x1xi32>
      %add3A_695 = arith.addi %broadcast_in_dim3A_692, %add3A_694 : vector<16x1xi32>
      %gather3A_696 = vector.shape_cast %add3A_695 : vector<16x1xi32> to vector<16xi32>
      %gather3A_697 = tpu.dynamic_gather %select_n3A_652[%gather3A_696] in [0] : vector<16xi32>, vector<16xi32> -> vector<16xi32>
      %broadcast_in_dim3A_698 = arith.constant 0 : i32
      %broadcast_in_dim3A_699 = vector.broadcast %broadcast_in_dim3A_698 : i32 to vector<16x1xi32>
      %add3A_700 = arith.constant 1 : i32
      %add3A_701 = vector.broadcast %add3A_700 : i32 to vector<16x1xi32>
      %add3A_702 = arith.addi %broadcast_in_dim3A_699, %add3A_701 : vector<16x1xi32>
      %gather3A_703 = vector.shape_cast %add3A_702 : vector<16x1xi32> to vector<16xi32>
      %gather3A_704 = tpu.dynamic_gather %select_n3A_655[%gather3A_703] in [0] : vector<16xi32>, vector<16xi32> -> vector<16xi32>
      %broadcast_in_dim3A_705 = arith.constant 0 : i32
      %broadcast_in_dim3A_706 = vector.broadcast %broadcast_in_dim3A_705 : i32 to vector<16x1xi32>
      %add3A_707 = arith.constant 1 : i32
      %add3A_708 = vector.broadcast %add3A_707 : i32 to vector<16x1xi32>
      %add3A_709 = arith.addi %broadcast_in_dim3A_706, %add3A_708 : vector<16x1xi32>
      %gather3A_710 = vector.shape_cast %add3A_709 : vector<16x1xi32> to vector<16xi32>
      %gather3A_711 = tpu.dynamic_gather %select_n3A_686[%gather3A_710] in [0] : vector<16xi32>, vector<16xi32> -> vector<16xi32>
      %broadcast_in_dim3A_712 = arith.constant 0 : i32
      %broadcast_in_dim3A_713 = vector.broadcast %broadcast_in_dim3A_712 : i32 to vector<16x1xi32>
      %add3A_714 = arith.constant 1 : i32
      %add3A_715 = vector.broadcast %add3A_714 : i32 to vector<16x1xi32>
      %add3A_716 = arith.addi %broadcast_in_dim3A_713, %add3A_715 : vector<16x1xi32>
      %gather3A_717 = vector.shape_cast %add3A_716 : vector<16x1xi32> to vector<16xi32>
      %gather3A_718 = tpu.dynamic_gather %select_n3A_690[%gather3A_717] in [0] : vector<16xi32>, vector<16xi32> -> vector<16xi32>
      %eq3A_719 = arith.cmpi eq, %select_n3A_652, %gather3A_697 : vector<16xi32>
      %eq3A_720 = arith.cmpi eq, %select_n3A_652, %gather3A_704 : vector<16xi32>
      %select_n3A_721 = arith.select %eq3A_720, %gather3A_711, %select_n3A_686 : vector<16xi1>, vector<16xi32>
      %select_n3A_722 = arith.select %eq3A_719, %gather3A_718, %select_n3A_721 : vector<16xi1>, vector<16xi32>
      %eq3A_723 = arith.cmpi eq, %select_n3A_655, %gather3A_697 : vector<16xi32>
      %eq3A_724 = arith.cmpi eq, %select_n3A_655, %gather3A_704 : vector<16xi32>
      %select_n3A_725 = arith.select %eq3A_724, %gather3A_711, %select_n3A_690 : vector<16xi1>, vector<16xi32>
      %select_n3A_726 = arith.select %eq3A_723, %gather3A_718, %select_n3A_725 : vector<16xi1>, vector<16xi32>
      %broadcast_in_dim3A_727 = arith.constant 0 : i32
      %broadcast_in_dim3A_728 = vector.broadcast %broadcast_in_dim3A_727 : i32 to vector<16x1xi32>
      %add3A_729 = arith.constant 2 : i32
      %add3A_730 = vector.broadcast %add3A_729 : i32 to vector<16x1xi32>
      %add3A_731 = arith.addi %broadcast_in_dim3A_728, %add3A_730 : vector<16x1xi32>
      %gather3A_732 = vector.shape_cast %add3A_731 : vector<16x1xi32> to vector<16xi32>
      %gather3A_733 = tpu.dynamic_gather %select_n3A_652[%gather3A_732] in [0] : vector<16xi32>, vector<16xi32> -> vector<16xi32>
      %broadcast_in_dim3A_734 = arith.constant 0 : i32
      %broadcast_in_dim3A_735 = vector.broadcast %broadcast_in_dim3A_734 : i32 to vector<16x1xi32>
      %add3A_736 = arith.constant 2 : i32
      %add3A_737 = vector.broadcast %add3A_736 : i32 to vector<16x1xi32>
      %add3A_738 = arith.addi %broadcast_in_dim3A_735, %add3A_737 : vector<16x1xi32>
      %gather3A_739 = vector.shape_cast %add3A_738 : vector<16x1xi32> to vector<16xi32>
      %gather3A_740 = tpu.dynamic_gather %select_n3A_655[%gather3A_739] in [0] : vector<16xi32>, vector<16xi32> -> vector<16xi32>
      %broadcast_in_dim3A_741 = arith.constant 0 : i32
      %broadcast_in_dim3A_742 = vector.broadcast %broadcast_in_dim3A_741 : i32 to vector<16x1xi32>
      %add3A_743 = arith.constant 2 : i32
      %add3A_744 = vector.broadcast %add3A_743 : i32 to vector<16x1xi32>
      %add3A_745 = arith.addi %broadcast_in_dim3A_742, %add3A_744 : vector<16x1xi32>
      %gather3A_746 = vector.shape_cast %add3A_745 : vector<16x1xi32> to vector<16xi32>
      %gather3A_747 = tpu.dynamic_gather %select_n3A_722[%gather3A_746] in [0] : vector<16xi32>, vector<16xi32> -> vector<16xi32>
      %broadcast_in_dim3A_748 = arith.constant 0 : i32
      %broadcast_in_dim3A_749 = vector.broadcast %broadcast_in_dim3A_748 : i32 to vector<16x1xi32>
      %add3A_750 = arith.constant 2 : i32
      %add3A_751 = vector.broadcast %add3A_750 : i32 to vector<16x1xi32>
      %add3A_752 = arith.addi %broadcast_in_dim3A_749, %add3A_751 : vector<16x1xi32>
      %gather3A_753 = vector.shape_cast %add3A_752 : vector<16x1xi32> to vector<16xi32>
      %gather3A_754 = tpu.dynamic_gather %select_n3A_726[%gather3A_753] in [0] : vector<16xi32>, vector<16xi32> -> vector<16xi32>
      %eq3A_755 = arith.cmpi eq, %select_n3A_652, %gather3A_733 : vector<16xi32>
      %eq3A_756 = arith.cmpi eq, %select_n3A_652, %gather3A_740 : vector<16xi32>
      %select_n3A_757 = arith.select %eq3A_756, %gather3A_747, %select_n3A_722 : vector<16xi1>, vector<16xi32>
      %select_n3A_758 = arith.select %eq3A_755, %gather3A_754, %select_n3A_757 : vector<16xi1>, vector<16xi32>
      %eq3A_759 = arith.cmpi eq, %select_n3A_655, %gather3A_733 : vector<16xi32>
      %eq3A_760 = arith.cmpi eq, %select_n3A_655, %gather3A_740 : vector<16xi32>
      %select_n3A_761 = arith.select %eq3A_760, %gather3A_747, %select_n3A_726 : vector<16xi1>, vector<16xi32>
      %select_n3A_762 = arith.select %eq3A_759, %gather3A_754, %select_n3A_761 : vector<16xi1>, vector<16xi32>
      %broadcast_in_dim3A_763 = arith.constant 0 : i32
      %broadcast_in_dim3A_764 = vector.broadcast %broadcast_in_dim3A_763 : i32 to vector<16x1xi32>
      %add3A_765 = arith.constant 3 : i32
      %add3A_766 = vector.broadcast %add3A_765 : i32 to vector<16x1xi32>
      %add3A_767 = arith.addi %broadcast_in_dim3A_764, %add3A_766 : vector<16x1xi32>
      %gather3A_768 = vector.shape_cast %add3A_767 : vector<16x1xi32> to vector<16xi32>
      %gather3A_769 = tpu.dynamic_gather %select_n3A_652[%gather3A_768] in [0] : vector<16xi32>, vector<16xi32> -> vector<16xi32>
      %broadcast_in_dim3A_770 = arith.constant 0 : i32
      %broadcast_in_dim3A_771 = vector.broadcast %broadcast_in_dim3A_770 : i32 to vector<16x1xi32>
      %add3A_772 = arith.constant 3 : i32
      %add3A_773 = vector.broadcast %add3A_772 : i32 to vector<16x1xi32>
      %add3A_774 = arith.addi %broadcast_in_dim3A_771, %add3A_773 : vector<16x1xi32>
      %gather3A_775 = vector.shape_cast %add3A_774 : vector<16x1xi32> to vector<16xi32>
      %gather3A_776 = tpu.dynamic_gather %select_n3A_655[%gather3A_775] in [0] : vector<16xi32>, vector<16xi32> -> vector<16xi32>
      %broadcast_in_dim3A_777 = arith.constant 0 : i32
      %broadcast_in_dim3A_778 = vector.broadcast %broadcast_in_dim3A_777 : i32 to vector<16x1xi32>
      %add3A_779 = arith.constant 3 : i32
      %add3A_780 = vector.broadcast %add3A_779 : i32 to vector<16x1xi32>
      %add3A_781 = arith.addi %broadcast_in_dim3A_778, %add3A_780 : vector<16x1xi32>
      %gather3A_782 = vector.shape_cast %add3A_781 : vector<16x1xi32> to vector<16xi32>
      %gather3A_783 = tpu.dynamic_gather %select_n3A_758[%gather3A_782] in [0] : vector<16xi32>, vector<16xi32> -> vector<16xi32>
      %broadcast_in_dim3A_784 = arith.constant 0 : i32
      %broadcast_in_dim3A_785 = vector.broadcast %broadcast_in_dim3A_784 : i32 to vector<16x1xi32>
      %add3A_786 = arith.constant 3 : i32
      %add3A_787 = vector.broadcast %add3A_786 : i32 to vector<16x1xi32>
      %add3A_788 = arith.addi %broadcast_in_dim3A_785, %add3A_787 : vector<16x1xi32>
      %gather3A_789 = vector.shape_cast %add3A_788 : vector<16x1xi32> to vector<16xi32>
      %gather3A_790 = tpu.dynamic_gather %select_n3A_762[%gather3A_789] in [0] : vector<16xi32>, vector<16xi32> -> vector<16xi32>
      %eq3A_791 = arith.cmpi eq, %select_n3A_652, %gather3A_769 : vector<16xi32>
      %eq3A_792 = arith.cmpi eq, %select_n3A_652, %gather3A_776 : vector<16xi32>
      %select_n3A_793 = arith.select %eq3A_792, %gather3A_783, %select_n3A_758 : vector<16xi1>, vector<16xi32>
      %select_n3A_794 = arith.select %eq3A_791, %gather3A_790, %select_n3A_793 : vector<16xi1>, vector<16xi32>
      %eq3A_795 = arith.cmpi eq, %select_n3A_655, %gather3A_769 : vector<16xi32>
      %eq3A_796 = arith.cmpi eq, %select_n3A_655, %gather3A_776 : vector<16xi32>
      %select_n3A_797 = arith.select %eq3A_796, %gather3A_783, %select_n3A_762 : vector<16xi1>, vector<16xi32>
      %select_n3A_798 = arith.select %eq3A_795, %gather3A_790, %select_n3A_797 : vector<16xi1>, vector<16xi32>
      %broadcast_in_dim3A_799 = arith.constant 0 : i32
      %broadcast_in_dim3A_800 = vector.broadcast %broadcast_in_dim3A_799 : i32 to vector<16x1xi32>
      %add3A_801 = arith.constant 4 : i32
      %add3A_802 = vector.broadcast %add3A_801 : i32 to vector<16x1xi32>
      %add3A_803 = arith.addi %broadcast_in_dim3A_800, %add3A_802 : vector<16x1xi32>
      %gather3A_804 = vector.shape_cast %add3A_803 : vector<16x1xi32> to vector<16xi32>
      %gather3A_805 = tpu.dynamic_gather %select_n3A_652[%gather3A_804] in [0] : vector<16xi32>, vector<16xi32> -> vector<16xi32>
      %broadcast_in_dim3A_806 = arith.constant 0 : i32
      %broadcast_in_dim3A_807 = vector.broadcast %broadcast_in_dim3A_806 : i32 to vector<16x1xi32>
      %add3A_808 = arith.constant 4 : i32
      %add3A_809 = vector.broadcast %add3A_808 : i32 to vector<16x1xi32>
      %add3A_810 = arith.addi %broadcast_in_dim3A_807, %add3A_809 : vector<16x1xi32>
      %gather3A_811 = vector.shape_cast %add3A_810 : vector<16x1xi32> to vector<16xi32>
      %gather3A_812 = tpu.dynamic_gather %select_n3A_655[%gather3A_811] in [0] : vector<16xi32>, vector<16xi32> -> vector<16xi32>
      %broadcast_in_dim3A_813 = arith.constant 0 : i32
      %broadcast_in_dim3A_814 = vector.broadcast %broadcast_in_dim3A_813 : i32 to vector<16x1xi32>
      %add3A_815 = arith.constant 4 : i32
      %add3A_816 = vector.broadcast %add3A_815 : i32 to vector<16x1xi32>
      %add3A_817 = arith.addi %broadcast_in_dim3A_814, %add3A_816 : vector<16x1xi32>
      %gather3A_818 = vector.shape_cast %add3A_817 : vector<16x1xi32> to vector<16xi32>
      %gather3A_819 = tpu.dynamic_gather %select_n3A_794[%gather3A_818] in [0] : vector<16xi32>, vector<16xi32> -> vector<16xi32>
      %broadcast_in_dim3A_820 = arith.constant 0 : i32
      %broadcast_in_dim3A_821 = vector.broadcast %broadcast_in_dim3A_820 : i32 to vector<16x1xi32>
      %add3A_822 = arith.constant 4 : i32
      %add3A_823 = vector.broadcast %add3A_822 : i32 to vector<16x1xi32>
      %add3A_824 = arith.addi %broadcast_in_dim3A_821, %add3A_823 : vector<16x1xi32>
      %gather3A_825 = vector.shape_cast %add3A_824 : vector<16x1xi32> to vector<16xi32>
      %gather3A_826 = tpu.dynamic_gather %select_n3A_798[%gather3A_825] in [0] : vector<16xi32>, vector<16xi32> -> vector<16xi32>
      %eq3A_827 = arith.cmpi eq, %select_n3A_652, %gather3A_805 : vector<16xi32>
      %eq3A_828 = arith.cmpi eq, %select_n3A_652, %gather3A_812 : vector<16xi32>
      %select_n3A_829 = arith.select %eq3A_828, %gather3A_819, %select_n3A_794 : vector<16xi1>, vector<16xi32>
      %select_n3A_830 = arith.select %eq3A_827, %gather3A_826, %select_n3A_829 : vector<16xi1>, vector<16xi32>
      %eq3A_831 = arith.cmpi eq, %select_n3A_655, %gather3A_805 : vector<16xi32>
      %eq3A_832 = arith.cmpi eq, %select_n3A_655, %gather3A_812 : vector<16xi32>
      %select_n3A_833 = arith.select %eq3A_832, %gather3A_819, %select_n3A_798 : vector<16xi1>, vector<16xi32>
      %select_n3A_834 = arith.select %eq3A_831, %gather3A_826, %select_n3A_833 : vector<16xi1>, vector<16xi32>
      %broadcast_in_dim3A_835 = arith.constant 0 : i32
      %broadcast_in_dim3A_836 = vector.broadcast %broadcast_in_dim3A_835 : i32 to vector<16x1xi32>
      %add3A_837 = arith.constant 5 : i32
      %add3A_838 = vector.broadcast %add3A_837 : i32 to vector<16x1xi32>
      %add3A_839 = arith.addi %broadcast_in_dim3A_836, %add3A_838 : vector<16x1xi32>
      %gather3A_840 = vector.shape_cast %add3A_839 : vector<16x1xi32> to vector<16xi32>
      %gather3A_841 = tpu.dynamic_gather %select_n3A_652[%gather3A_840] in [0] : vector<16xi32>, vector<16xi32> -> vector<16xi32>
      %broadcast_in_dim3A_842 = arith.constant 0 : i32
      %broadcast_in_dim3A_843 = vector.broadcast %broadcast_in_dim3A_842 : i32 to vector<16x1xi32>
      %add3A_844 = arith.constant 5 : i32
      %add3A_845 = vector.broadcast %add3A_844 : i32 to vector<16x1xi32>
      %add3A_846 = arith.addi %broadcast_in_dim3A_843, %add3A_845 : vector<16x1xi32>
      %gather3A_847 = vector.shape_cast %add3A_846 : vector<16x1xi32> to vector<16xi32>
      %gather3A_848 = tpu.dynamic_gather %select_n3A_655[%gather3A_847] in [0] : vector<16xi32>, vector<16xi32> -> vector<16xi32>
      %broadcast_in_dim3A_849 = arith.constant 0 : i32
      %broadcast_in_dim3A_850 = vector.broadcast %broadcast_in_dim3A_849 : i32 to vector<16x1xi32>
      %add3A_851 = arith.constant 5 : i32
      %add3A_852 = vector.broadcast %add3A_851 : i32 to vector<16x1xi32>
      %add3A_853 = arith.addi %broadcast_in_dim3A_850, %add3A_852 : vector<16x1xi32>
      %gather3A_854 = vector.shape_cast %add3A_853 : vector<16x1xi32> to vector<16xi32>
      %gather3A_855 = tpu.dynamic_gather %select_n3A_830[%gather3A_854] in [0] : vector<16xi32>, vector<16xi32> -> vector<16xi32>
      %broadcast_in_dim3A_856 = arith.constant 0 : i32
      %broadcast_in_dim3A_857 = vector.broadcast %broadcast_in_dim3A_856 : i32 to vector<16x1xi32>
      %add3A_858 = arith.constant 5 : i32
      %add3A_859 = vector.broadcast %add3A_858 : i32 to vector<16x1xi32>
      %add3A_860 = arith.addi %broadcast_in_dim3A_857, %add3A_859 : vector<16x1xi32>
      %gather3A_861 = vector.shape_cast %add3A_860 : vector<16x1xi32> to vector<16xi32>
      %gather3A_862 = tpu.dynamic_gather %select_n3A_834[%gather3A_861] in [0] : vector<16xi32>, vector<16xi32> -> vector<16xi32>
      %eq3A_863 = arith.cmpi eq, %select_n3A_652, %gather3A_841 : vector<16xi32>
      %eq3A_864 = arith.cmpi eq, %select_n3A_652, %gather3A_848 : vector<16xi32>
      %select_n3A_865 = arith.select %eq3A_864, %gather3A_855, %select_n3A_830 : vector<16xi1>, vector<16xi32>
      %select_n3A_866 = arith.select %eq3A_863, %gather3A_862, %select_n3A_865 : vector<16xi1>, vector<16xi32>
      %eq3A_867 = arith.cmpi eq, %select_n3A_655, %gather3A_841 : vector<16xi32>
      %eq3A_868 = arith.cmpi eq, %select_n3A_655, %gather3A_848 : vector<16xi32>
      %select_n3A_869 = arith.select %eq3A_868, %gather3A_855, %select_n3A_834 : vector<16xi1>, vector<16xi32>
      %select_n3A_870 = arith.select %eq3A_867, %gather3A_862, %select_n3A_869 : vector<16xi1>, vector<16xi32>
      %broadcast_in_dim3A_871 = arith.constant 0 : i32
      %broadcast_in_dim3A_872 = vector.broadcast %broadcast_in_dim3A_871 : i32 to vector<16x1xi32>
      %add3A_873 = arith.constant 6 : i32
      %add3A_874 = vector.broadcast %add3A_873 : i32 to vector<16x1xi32>
      %add3A_875 = arith.addi %broadcast_in_dim3A_872, %add3A_874 : vector<16x1xi32>
      %gather3A_876 = vector.shape_cast %add3A_875 : vector<16x1xi32> to vector<16xi32>
      %gather3A_877 = tpu.dynamic_gather %select_n3A_652[%gather3A_876] in [0] : vector<16xi32>, vector<16xi32> -> vector<16xi32>
      %broadcast_in_dim3A_878 = arith.constant 0 : i32
      %broadcast_in_dim3A_879 = vector.broadcast %broadcast_in_dim3A_878 : i32 to vector<16x1xi32>
      %add3A_880 = arith.constant 6 : i32
      %add3A_881 = vector.broadcast %add3A_880 : i32 to vector<16x1xi32>
      %add3A_882 = arith.addi %broadcast_in_dim3A_879, %add3A_881 : vector<16x1xi32>
      %gather3A_883 = vector.shape_cast %add3A_882 : vector<16x1xi32> to vector<16xi32>
      %gather3A_884 = tpu.dynamic_gather %select_n3A_655[%gather3A_883] in [0] : vector<16xi32>, vector<16xi32> -> vector<16xi32>
      %broadcast_in_dim3A_885 = arith.constant 0 : i32
      %broadcast_in_dim3A_886 = vector.broadcast %broadcast_in_dim3A_885 : i32 to vector<16x1xi32>
      %add3A_887 = arith.constant 6 : i32
      %add3A_888 = vector.broadcast %add3A_887 : i32 to vector<16x1xi32>
      %add3A_889 = arith.addi %broadcast_in_dim3A_886, %add3A_888 : vector<16x1xi32>
      %gather3A_890 = vector.shape_cast %add3A_889 : vector<16x1xi32> to vector<16xi32>
      %gather3A_891 = tpu.dynamic_gather %select_n3A_866[%gather3A_890] in [0] : vector<16xi32>, vector<16xi32> -> vector<16xi32>
      %broadcast_in_dim3A_892 = arith.constant 0 : i32
      %broadcast_in_dim3A_893 = vector.broadcast %broadcast_in_dim3A_892 : i32 to vector<16x1xi32>
      %add3A_894 = arith.constant 6 : i32
      %add3A_895 = vector.broadcast %add3A_894 : i32 to vector<16x1xi32>
      %add3A_896 = arith.addi %broadcast_in_dim3A_893, %add3A_895 : vector<16x1xi32>
      %gather3A_897 = vector.shape_cast %add3A_896 : vector<16x1xi32> to vector<16xi32>
      %gather3A_898 = tpu.dynamic_gather %select_n3A_870[%gather3A_897] in [0] : vector<16xi32>, vector<16xi32> -> vector<16xi32>
      %eq3A_899 = arith.cmpi eq, %select_n3A_652, %gather3A_877 : vector<16xi32>
      %eq3A_900 = arith.cmpi eq, %select_n3A_652, %gather3A_884 : vector<16xi32>
      %select_n3A_901 = arith.select %eq3A_900, %gather3A_891, %select_n3A_866 : vector<16xi1>, vector<16xi32>
      %select_n3A_902 = arith.select %eq3A_899, %gather3A_898, %select_n3A_901 : vector<16xi1>, vector<16xi32>
      %eq3A_903 = arith.cmpi eq, %select_n3A_655, %gather3A_877 : vector<16xi32>
      %eq3A_904 = arith.cmpi eq, %select_n3A_655, %gather3A_884 : vector<16xi32>
      %select_n3A_905 = arith.select %eq3A_904, %gather3A_891, %select_n3A_870 : vector<16xi1>, vector<16xi32>
      %select_n3A_906 = arith.select %eq3A_903, %gather3A_898, %select_n3A_905 : vector<16xi1>, vector<16xi32>
      %broadcast_in_dim3A_907 = arith.constant 0 : i32
      %broadcast_in_dim3A_908 = vector.broadcast %broadcast_in_dim3A_907 : i32 to vector<16x1xi32>
      %add3A_909 = arith.constant 7 : i32
      %add3A_910 = vector.broadcast %add3A_909 : i32 to vector<16x1xi32>
      %add3A_911 = arith.addi %broadcast_in_dim3A_908, %add3A_910 : vector<16x1xi32>
      %gather3A_912 = vector.shape_cast %add3A_911 : vector<16x1xi32> to vector<16xi32>
      %gather3A_913 = tpu.dynamic_gather %select_n3A_652[%gather3A_912] in [0] : vector<16xi32>, vector<16xi32> -> vector<16xi32>
      %broadcast_in_dim3A_914 = arith.constant 0 : i32
      %broadcast_in_dim3A_915 = vector.broadcast %broadcast_in_dim3A_914 : i32 to vector<16x1xi32>
      %add3A_916 = arith.constant 7 : i32
      %add3A_917 = vector.broadcast %add3A_916 : i32 to vector<16x1xi32>
      %add3A_918 = arith.addi %broadcast_in_dim3A_915, %add3A_917 : vector<16x1xi32>
      %gather3A_919 = vector.shape_cast %add3A_918 : vector<16x1xi32> to vector<16xi32>
      %gather3A_920 = tpu.dynamic_gather %select_n3A_655[%gather3A_919] in [0] : vector<16xi32>, vector<16xi32> -> vector<16xi32>
      %broadcast_in_dim3A_921 = arith.constant 0 : i32
      %broadcast_in_dim3A_922 = vector.broadcast %broadcast_in_dim3A_921 : i32 to vector<16x1xi32>
      %add3A_923 = arith.constant 7 : i32
      %add3A_924 = vector.broadcast %add3A_923 : i32 to vector<16x1xi32>
      %add3A_925 = arith.addi %broadcast_in_dim3A_922, %add3A_924 : vector<16x1xi32>
      %gather3A_926 = vector.shape_cast %add3A_925 : vector<16x1xi32> to vector<16xi32>
      %gather3A_927 = tpu.dynamic_gather %select_n3A_902[%gather3A_926] in [0] : vector<16xi32>, vector<16xi32> -> vector<16xi32>
      %broadcast_in_dim3A_928 = arith.constant 0 : i32
      %broadcast_in_dim3A_929 = vector.broadcast %broadcast_in_dim3A_928 : i32 to vector<16x1xi32>
      %add3A_930 = arith.constant 7 : i32
      %add3A_931 = vector.broadcast %add3A_930 : i32 to vector<16x1xi32>
      %add3A_932 = arith.addi %broadcast_in_dim3A_929, %add3A_931 : vector<16x1xi32>
      %gather3A_933 = vector.shape_cast %add3A_932 : vector<16x1xi32> to vector<16xi32>
      %gather3A_934 = tpu.dynamic_gather %select_n3A_906[%gather3A_933] in [0] : vector<16xi32>, vector<16xi32> -> vector<16xi32>
      %eq3A_935 = arith.cmpi eq, %select_n3A_652, %gather3A_913 : vector<16xi32>
      %eq3A_936 = arith.cmpi eq, %select_n3A_652, %gather3A_920 : vector<16xi32>
      %select_n3A_937 = arith.select %eq3A_936, %gather3A_927, %select_n3A_902 : vector<16xi1>, vector<16xi32>
      %select_n3A_938 = arith.select %eq3A_935, %gather3A_934, %select_n3A_937 : vector<16xi1>, vector<16xi32>
      %eq3A_939 = arith.cmpi eq, %select_n3A_655, %gather3A_913 : vector<16xi32>
      %eq3A_940 = arith.cmpi eq, %select_n3A_655, %gather3A_920 : vector<16xi32>
      %select_n3A_941 = arith.select %eq3A_940, %gather3A_927, %select_n3A_906 : vector<16xi1>, vector<16xi32>
      %select_n3A_942 = arith.select %eq3A_939, %gather3A_934, %select_n3A_941 : vector<16xi1>, vector<16xi32>
      %broadcast_in_dim3A_943 = arith.constant 0 : i32
      %broadcast_in_dim3A_944 = vector.broadcast %broadcast_in_dim3A_943 : i32 to vector<16x1xi32>
      %add3A_945 = arith.constant 8 : i32
      %add3A_946 = vector.broadcast %add3A_945 : i32 to vector<16x1xi32>
      %add3A_947 = arith.addi %broadcast_in_dim3A_944, %add3A_946 : vector<16x1xi32>
      %gather3A_948 = vector.shape_cast %add3A_947 : vector<16x1xi32> to vector<16xi32>
      %gather3A_949 = tpu.dynamic_gather %select_n3A_652[%gather3A_948] in [0] : vector<16xi32>, vector<16xi32> -> vector<16xi32>
      %broadcast_in_dim3A_950 = arith.constant 0 : i32
      %broadcast_in_dim3A_951 = vector.broadcast %broadcast_in_dim3A_950 : i32 to vector<16x1xi32>
      %add3A_952 = arith.constant 8 : i32
      %add3A_953 = vector.broadcast %add3A_952 : i32 to vector<16x1xi32>
      %add3A_954 = arith.addi %broadcast_in_dim3A_951, %add3A_953 : vector<16x1xi32>
      %gather3A_955 = vector.shape_cast %add3A_954 : vector<16x1xi32> to vector<16xi32>
      %gather3A_956 = tpu.dynamic_gather %select_n3A_655[%gather3A_955] in [0] : vector<16xi32>, vector<16xi32> -> vector<16xi32>
      %broadcast_in_dim3A_957 = arith.constant 0 : i32
      %broadcast_in_dim3A_958 = vector.broadcast %broadcast_in_dim3A_957 : i32 to vector<16x1xi32>
      %add3A_959 = arith.constant 8 : i32
      %add3A_960 = vector.broadcast %add3A_959 : i32 to vector<16x1xi32>
      %add3A_961 = arith.addi %broadcast_in_dim3A_958, %add3A_960 : vector<16x1xi32>
      %gather3A_962 = vector.shape_cast %add3A_961 : vector<16x1xi32> to vector<16xi32>
      %gather3A_963 = tpu.dynamic_gather %select_n3A_938[%gather3A_962] in [0] : vector<16xi32>, vector<16xi32> -> vector<16xi32>
      %broadcast_in_dim3A_964 = arith.constant 0 : i32
      %broadcast_in_dim3A_965 = vector.broadcast %broadcast_in_dim3A_964 : i32 to vector<16x1xi32>
      %add3A_966 = arith.constant 8 : i32
      %add3A_967 = vector.broadcast %add3A_966 : i32 to vector<16x1xi32>
      %add3A_968 = arith.addi %broadcast_in_dim3A_965, %add3A_967 : vector<16x1xi32>
      %gather3A_969 = vector.shape_cast %add3A_968 : vector<16x1xi32> to vector<16xi32>
      %gather3A_970 = tpu.dynamic_gather %select_n3A_942[%gather3A_969] in [0] : vector<16xi32>, vector<16xi32> -> vector<16xi32>
      %eq3A_971 = arith.cmpi eq, %select_n3A_652, %gather3A_949 : vector<16xi32>
      %eq3A_972 = arith.cmpi eq, %select_n3A_652, %gather3A_956 : vector<16xi32>
      %select_n3A_973 = arith.select %eq3A_972, %gather3A_963, %select_n3A_938 : vector<16xi1>, vector<16xi32>
      %select_n3A_974 = arith.select %eq3A_971, %gather3A_970, %select_n3A_973 : vector<16xi1>, vector<16xi32>
      %eq3A_975 = arith.cmpi eq, %select_n3A_655, %gather3A_949 : vector<16xi32>
      %eq3A_976 = arith.cmpi eq, %select_n3A_655, %gather3A_956 : vector<16xi32>
      %select_n3A_977 = arith.select %eq3A_976, %gather3A_963, %select_n3A_942 : vector<16xi1>, vector<16xi32>
      %select_n3A_978 = arith.select %eq3A_975, %gather3A_970, %select_n3A_977 : vector<16xi1>, vector<16xi32>
      %broadcast_in_dim3A_979 = arith.constant 0 : i32
      %broadcast_in_dim3A_980 = vector.broadcast %broadcast_in_dim3A_979 : i32 to vector<16x1xi32>
      %add3A_981 = arith.constant 9 : i32
      %add3A_982 = vector.broadcast %add3A_981 : i32 to vector<16x1xi32>
      %add3A_983 = arith.addi %broadcast_in_dim3A_980, %add3A_982 : vector<16x1xi32>
      %gather3A_984 = vector.shape_cast %add3A_983 : vector<16x1xi32> to vector<16xi32>
      %gather3A_985 = tpu.dynamic_gather %select_n3A_652[%gather3A_984] in [0] : vector<16xi32>, vector<16xi32> -> vector<16xi32>
      %broadcast_in_dim3A_986 = arith.constant 0 : i32
      %broadcast_in_dim3A_987 = vector.broadcast %broadcast_in_dim3A_986 : i32 to vector<16x1xi32>
      %add3A_988 = arith.constant 9 : i32
      %add3A_989 = vector.broadcast %add3A_988 : i32 to vector<16x1xi32>
      %add3A_990 = arith.addi %broadcast_in_dim3A_987, %add3A_989 : vector<16x1xi32>
      %gather3A_991 = vector.shape_cast %add3A_990 : vector<16x1xi32> to vector<16xi32>
      %gather3A_992 = tpu.dynamic_gather %select_n3A_655[%gather3A_991] in [0] : vector<16xi32>, vector<16xi32> -> vector<16xi32>
      %broadcast_in_dim3A_993 = arith.constant 0 : i32
      %broadcast_in_dim3A_994 = vector.broadcast %broadcast_in_dim3A_993 : i32 to vector<16x1xi32>
      %add3A_995 = arith.constant 9 : i32
      %add3A_996 = vector.broadcast %add3A_995 : i32 to vector<16x1xi32>
      %add3A_997 = arith.addi %broadcast_in_dim3A_994, %add3A_996 : vector<16x1xi32>
      %gather3A_998 = vector.shape_cast %add3A_997 : vector<16x1xi32> to vector<16xi32>
      %gather3A_999 = tpu.dynamic_gather %select_n3A_974[%gather3A_998] in [0] : vector<16xi32>, vector<16xi32> -> vector<16xi32>
      %broadcast_in_dim3A_1000 = arith.constant 0 : i32
      %broadcast_in_dim3A_1001 = vector.broadcast %broadcast_in_dim3A_1000 : i32 to vector<16x1xi32>
      %add3A_1002 = arith.constant 9 : i32
      %add3A_1003 = vector.broadcast %add3A_1002 : i32 to vector<16x1xi32>
      %add3A_1004 = arith.addi %broadcast_in_dim3A_1001, %add3A_1003 : vector<16x1xi32>
      %gather3A_1005 = vector.shape_cast %add3A_1004 : vector<16x1xi32> to vector<16xi32>
      %gather3A_1006 = tpu.dynamic_gather %select_n3A_978[%gather3A_1005] in [0] : vector<16xi32>, vector<16xi32> -> vector<16xi32>
      %eq3A_1007 = arith.cmpi eq, %select_n3A_652, %gather3A_985 : vector<16xi32>
      %eq3A_1008 = arith.cmpi eq, %select_n3A_652, %gather3A_992 : vector<16xi32>
      %select_n3A_1009 = arith.select %eq3A_1008, %gather3A_999, %select_n3A_974 : vector<16xi1>, vector<16xi32>
      %select_n3A_1010 = arith.select %eq3A_1007, %gather3A_1006, %select_n3A_1009 : vector<16xi1>, vector<16xi32>
      %eq3A_1011 = arith.cmpi eq, %select_n3A_655, %gather3A_985 : vector<16xi32>
      %eq3A_1012 = arith.cmpi eq, %select_n3A_655, %gather3A_992 : vector<16xi32>
      %select_n3A_1013 = arith.select %eq3A_1012, %gather3A_999, %select_n3A_978 : vector<16xi1>, vector<16xi32>
      %select_n3A_1014 = arith.select %eq3A_1011, %gather3A_1006, %select_n3A_1013 : vector<16xi1>, vector<16xi32>
      %broadcast_in_dim3A_1015 = arith.constant 0 : i32
      %broadcast_in_dim3A_1016 = vector.broadcast %broadcast_in_dim3A_1015 : i32 to vector<16x1xi32>
      %add3A_1017 = arith.constant 10 : i32
      %add3A_1018 = vector.broadcast %add3A_1017 : i32 to vector<16x1xi32>
      %add3A_1019 = arith.addi %broadcast_in_dim3A_1016, %add3A_1018 : vector<16x1xi32>
      %gather3A_1020 = vector.shape_cast %add3A_1019 : vector<16x1xi32> to vector<16xi32>
      %gather3A_1021 = tpu.dynamic_gather %select_n3A_652[%gather3A_1020] in [0] : vector<16xi32>, vector<16xi32> -> vector<16xi32>
      %broadcast_in_dim3A_1022 = arith.constant 0 : i32
      %broadcast_in_dim3A_1023 = vector.broadcast %broadcast_in_dim3A_1022 : i32 to vector<16x1xi32>
      %add3A_1024 = arith.constant 10 : i32
      %add3A_1025 = vector.broadcast %add3A_1024 : i32 to vector<16x1xi32>
      %add3A_1026 = arith.addi %broadcast_in_dim3A_1023, %add3A_1025 : vector<16x1xi32>
      %gather3A_1027 = vector.shape_cast %add3A_1026 : vector<16x1xi32> to vector<16xi32>
      %gather3A_1028 = tpu.dynamic_gather %select_n3A_655[%gather3A_1027] in [0] : vector<16xi32>, vector<16xi32> -> vector<16xi32>
      %broadcast_in_dim3A_1029 = arith.constant 0 : i32
      %broadcast_in_dim3A_1030 = vector.broadcast %broadcast_in_dim3A_1029 : i32 to vector<16x1xi32>
      %add3A_1031 = arith.constant 10 : i32
      %add3A_1032 = vector.broadcast %add3A_1031 : i32 to vector<16x1xi32>
      %add3A_1033 = arith.addi %broadcast_in_dim3A_1030, %add3A_1032 : vector<16x1xi32>
      %gather3A_1034 = vector.shape_cast %add3A_1033 : vector<16x1xi32> to vector<16xi32>
      %gather3A_1035 = tpu.dynamic_gather %select_n3A_1010[%gather3A_1034] in [0] : vector<16xi32>, vector<16xi32> -> vector<16xi32>
      %broadcast_in_dim3A_1036 = arith.constant 0 : i32
      %broadcast_in_dim3A_1037 = vector.broadcast %broadcast_in_dim3A_1036 : i32 to vector<16x1xi32>
      %add3A_1038 = arith.constant 10 : i32
      %add3A_1039 = vector.broadcast %add3A_1038 : i32 to vector<16x1xi32>
      %add3A_1040 = arith.addi %broadcast_in_dim3A_1037, %add3A_1039 : vector<16x1xi32>
      %gather3A_1041 = vector.shape_cast %add3A_1040 : vector<16x1xi32> to vector<16xi32>
      %gather3A_1042 = tpu.dynamic_gather %select_n3A_1014[%gather3A_1041] in [0] : vector<16xi32>, vector<16xi32> -> vector<16xi32>
      %eq3A_1043 = arith.cmpi eq, %select_n3A_652, %gather3A_1021 : vector<16xi32>
      %eq3A_1044 = arith.cmpi eq, %select_n3A_652, %gather3A_1028 : vector<16xi32>
      %select_n3A_1045 = arith.select %eq3A_1044, %gather3A_1035, %select_n3A_1010 : vector<16xi1>, vector<16xi32>
      %select_n3A_1046 = arith.select %eq3A_1043, %gather3A_1042, %select_n3A_1045 : vector<16xi1>, vector<16xi32>
      %eq3A_1047 = arith.cmpi eq, %select_n3A_655, %gather3A_1021 : vector<16xi32>
      %eq3A_1048 = arith.cmpi eq, %select_n3A_655, %gather3A_1028 : vector<16xi32>
      %select_n3A_1049 = arith.select %eq3A_1048, %gather3A_1035, %select_n3A_1014 : vector<16xi1>, vector<16xi32>
      %select_n3A_1050 = arith.select %eq3A_1047, %gather3A_1042, %select_n3A_1049 : vector<16xi1>, vector<16xi32>
      %broadcast_in_dim3A_1051 = arith.constant 0 : i32
      %broadcast_in_dim3A_1052 = vector.broadcast %broadcast_in_dim3A_1051 : i32 to vector<16x1xi32>
      %add3A_1053 = arith.constant 11 : i32
      %add3A_1054 = vector.broadcast %add3A_1053 : i32 to vector<16x1xi32>
      %add3A_1055 = arith.addi %broadcast_in_dim3A_1052, %add3A_1054 : vector<16x1xi32>
      %gather3A_1056 = vector.shape_cast %add3A_1055 : vector<16x1xi32> to vector<16xi32>
      %gather3A_1057 = tpu.dynamic_gather %select_n3A_652[%gather3A_1056] in [0] : vector<16xi32>, vector<16xi32> -> vector<16xi32>
      %broadcast_in_dim3A_1058 = arith.constant 0 : i32
      %broadcast_in_dim3A_1059 = vector.broadcast %broadcast_in_dim3A_1058 : i32 to vector<16x1xi32>
      %add3A_1060 = arith.constant 11 : i32
      %add3A_1061 = vector.broadcast %add3A_1060 : i32 to vector<16x1xi32>
      %add3A_1062 = arith.addi %broadcast_in_dim3A_1059, %add3A_1061 : vector<16x1xi32>
      %gather3A_1063 = vector.shape_cast %add3A_1062 : vector<16x1xi32> to vector<16xi32>
      %gather3A_1064 = tpu.dynamic_gather %select_n3A_655[%gather3A_1063] in [0] : vector<16xi32>, vector<16xi32> -> vector<16xi32>
      %broadcast_in_dim3A_1065 = arith.constant 0 : i32
      %broadcast_in_dim3A_1066 = vector.broadcast %broadcast_in_dim3A_1065 : i32 to vector<16x1xi32>
      %add3A_1067 = arith.constant 11 : i32
      %add3A_1068 = vector.broadcast %add3A_1067 : i32 to vector<16x1xi32>
      %add3A_1069 = arith.addi %broadcast_in_dim3A_1066, %add3A_1068 : vector<16x1xi32>
      %gather3A_1070 = vector.shape_cast %add3A_1069 : vector<16x1xi32> to vector<16xi32>
      %gather3A_1071 = tpu.dynamic_gather %select_n3A_1046[%gather3A_1070] in [0] : vector<16xi32>, vector<16xi32> -> vector<16xi32>
      %broadcast_in_dim3A_1072 = arith.constant 0 : i32
      %broadcast_in_dim3A_1073 = vector.broadcast %broadcast_in_dim3A_1072 : i32 to vector<16x1xi32>
      %add3A_1074 = arith.constant 11 : i32
      %add3A_1075 = vector.broadcast %add3A_1074 : i32 to vector<16x1xi32>
      %add3A_1076 = arith.addi %broadcast_in_dim3A_1073, %add3A_1075 : vector<16x1xi32>
      %gather3A_1077 = vector.shape_cast %add3A_1076 : vector<16x1xi32> to vector<16xi32>
      %gather3A_1078 = tpu.dynamic_gather %select_n3A_1050[%gather3A_1077] in [0] : vector<16xi32>, vector<16xi32> -> vector<16xi32>
      %eq3A_1079 = arith.cmpi eq, %select_n3A_652, %gather3A_1057 : vector<16xi32>
      %eq3A_1080 = arith.cmpi eq, %select_n3A_652, %gather3A_1064 : vector<16xi32>
      %select_n3A_1081 = arith.select %eq3A_1080, %gather3A_1071, %select_n3A_1046 : vector<16xi1>, vector<16xi32>
      %select_n3A_1082 = arith.select %eq3A_1079, %gather3A_1078, %select_n3A_1081 : vector<16xi1>, vector<16xi32>
      %eq3A_1083 = arith.cmpi eq, %select_n3A_655, %gather3A_1057 : vector<16xi32>
      %eq3A_1084 = arith.cmpi eq, %select_n3A_655, %gather3A_1064 : vector<16xi32>
      %select_n3A_1085 = arith.select %eq3A_1084, %gather3A_1071, %select_n3A_1050 : vector<16xi1>, vector<16xi32>
      %select_n3A_1086 = arith.select %eq3A_1083, %gather3A_1078, %select_n3A_1085 : vector<16xi1>, vector<16xi32>
      %broadcast_in_dim3A_1087 = arith.constant 0 : i32
      %broadcast_in_dim3A_1088 = vector.broadcast %broadcast_in_dim3A_1087 : i32 to vector<16x1xi32>
      %add3A_1089 = arith.constant 12 : i32
      %add3A_1090 = vector.broadcast %add3A_1089 : i32 to vector<16x1xi32>
      %add3A_1091 = arith.addi %broadcast_in_dim3A_1088, %add3A_1090 : vector<16x1xi32>
      %gather3A_1092 = vector.shape_cast %add3A_1091 : vector<16x1xi32> to vector<16xi32>
      %gather3A_1093 = tpu.dynamic_gather %select_n3A_652[%gather3A_1092] in [0] : vector<16xi32>, vector<16xi32> -> vector<16xi32>
      %broadcast_in_dim3A_1094 = arith.constant 0 : i32
      %broadcast_in_dim3A_1095 = vector.broadcast %broadcast_in_dim3A_1094 : i32 to vector<16x1xi32>
      %add3A_1096 = arith.constant 12 : i32
      %add3A_1097 = vector.broadcast %add3A_1096 : i32 to vector<16x1xi32>
      %add3A_1098 = arith.addi %broadcast_in_dim3A_1095, %add3A_1097 : vector<16x1xi32>
      %gather3A_1099 = vector.shape_cast %add3A_1098 : vector<16x1xi32> to vector<16xi32>
      %gather3A_1100 = tpu.dynamic_gather %select_n3A_655[%gather3A_1099] in [0] : vector<16xi32>, vector<16xi32> -> vector<16xi32>
      %broadcast_in_dim3A_1101 = arith.constant 0 : i32
      %broadcast_in_dim3A_1102 = vector.broadcast %broadcast_in_dim3A_1101 : i32 to vector<16x1xi32>
      %add3A_1103 = arith.constant 12 : i32
      %add3A_1104 = vector.broadcast %add3A_1103 : i32 to vector<16x1xi32>
      %add3A_1105 = arith.addi %broadcast_in_dim3A_1102, %add3A_1104 : vector<16x1xi32>
      %gather3A_1106 = vector.shape_cast %add3A_1105 : vector<16x1xi32> to vector<16xi32>
      %gather3A_1107 = tpu.dynamic_gather %select_n3A_1082[%gather3A_1106] in [0] : vector<16xi32>, vector<16xi32> -> vector<16xi32>
      %broadcast_in_dim3A_1108 = arith.constant 0 : i32
      %broadcast_in_dim3A_1109 = vector.broadcast %broadcast_in_dim3A_1108 : i32 to vector<16x1xi32>
      %add3A_1110 = arith.constant 12 : i32
      %add3A_1111 = vector.broadcast %add3A_1110 : i32 to vector<16x1xi32>
      %add3A_1112 = arith.addi %broadcast_in_dim3A_1109, %add3A_1111 : vector<16x1xi32>
      %gather3A_1113 = vector.shape_cast %add3A_1112 : vector<16x1xi32> to vector<16xi32>
      %gather3A_1114 = tpu.dynamic_gather %select_n3A_1086[%gather3A_1113] in [0] : vector<16xi32>, vector<16xi32> -> vector<16xi32>
      %eq3A_1115 = arith.cmpi eq, %select_n3A_652, %gather3A_1093 : vector<16xi32>
      %eq3A_1116 = arith.cmpi eq, %select_n3A_652, %gather3A_1100 : vector<16xi32>
      %select_n3A_1117 = arith.select %eq3A_1116, %gather3A_1107, %select_n3A_1082 : vector<16xi1>, vector<16xi32>
      %select_n3A_1118 = arith.select %eq3A_1115, %gather3A_1114, %select_n3A_1117 : vector<16xi1>, vector<16xi32>
      %eq3A_1119 = arith.cmpi eq, %select_n3A_655, %gather3A_1093 : vector<16xi32>
      %eq3A_1120 = arith.cmpi eq, %select_n3A_655, %gather3A_1100 : vector<16xi32>
      %select_n3A_1121 = arith.select %eq3A_1120, %gather3A_1107, %select_n3A_1086 : vector<16xi1>, vector<16xi32>
      %select_n3A_1122 = arith.select %eq3A_1119, %gather3A_1114, %select_n3A_1121 : vector<16xi1>, vector<16xi32>
      %broadcast_in_dim3A_1123 = arith.constant 0 : i32
      %broadcast_in_dim3A_1124 = vector.broadcast %broadcast_in_dim3A_1123 : i32 to vector<16x1xi32>
      %add3A_1125 = arith.constant 13 : i32
      %add3A_1126 = vector.broadcast %add3A_1125 : i32 to vector<16x1xi32>
      %add3A_1127 = arith.addi %broadcast_in_dim3A_1124, %add3A_1126 : vector<16x1xi32>
      %gather3A_1128 = vector.shape_cast %add3A_1127 : vector<16x1xi32> to vector<16xi32>
      %gather3A_1129 = tpu.dynamic_gather %select_n3A_652[%gather3A_1128] in [0] : vector<16xi32>, vector<16xi32> -> vector<16xi32>
      %broadcast_in_dim3A_1130 = arith.constant 0 : i32
      %broadcast_in_dim3A_1131 = vector.broadcast %broadcast_in_dim3A_1130 : i32 to vector<16x1xi32>
      %add3A_1132 = arith.constant 13 : i32
      %add3A_1133 = vector.broadcast %add3A_1132 : i32 to vector<16x1xi32>
      %add3A_1134 = arith.addi %broadcast_in_dim3A_1131, %add3A_1133 : vector<16x1xi32>
      %gather3A_1135 = vector.shape_cast %add3A_1134 : vector<16x1xi32> to vector<16xi32>
      %gather3A_1136 = tpu.dynamic_gather %select_n3A_655[%gather3A_1135] in [0] : vector<16xi32>, vector<16xi32> -> vector<16xi32>
      %broadcast_in_dim3A_1137 = arith.constant 0 : i32
      %broadcast_in_dim3A_1138 = vector.broadcast %broadcast_in_dim3A_1137 : i32 to vector<16x1xi32>
      %add3A_1139 = arith.constant 13 : i32
      %add3A_1140 = vector.broadcast %add3A_1139 : i32 to vector<16x1xi32>
      %add3A_1141 = arith.addi %broadcast_in_dim3A_1138, %add3A_1140 : vector<16x1xi32>
      %gather3A_1142 = vector.shape_cast %add3A_1141 : vector<16x1xi32> to vector<16xi32>
      %gather3A_1143 = tpu.dynamic_gather %select_n3A_1118[%gather3A_1142] in [0] : vector<16xi32>, vector<16xi32> -> vector<16xi32>
      %broadcast_in_dim3A_1144 = arith.constant 0 : i32
      %broadcast_in_dim3A_1145 = vector.broadcast %broadcast_in_dim3A_1144 : i32 to vector<16x1xi32>
      %add3A_1146 = arith.constant 13 : i32
      %add3A_1147 = vector.broadcast %add3A_1146 : i32 to vector<16x1xi32>
      %add3A_1148 = arith.addi %broadcast_in_dim3A_1145, %add3A_1147 : vector<16x1xi32>
      %gather3A_1149 = vector.shape_cast %add3A_1148 : vector<16x1xi32> to vector<16xi32>
      %gather3A_1150 = tpu.dynamic_gather %select_n3A_1122[%gather3A_1149] in [0] : vector<16xi32>, vector<16xi32> -> vector<16xi32>
      %eq3A_1151 = arith.cmpi eq, %select_n3A_652, %gather3A_1129 : vector<16xi32>
      %eq3A_1152 = arith.cmpi eq, %select_n3A_652, %gather3A_1136 : vector<16xi32>
      %select_n3A_1153 = arith.select %eq3A_1152, %gather3A_1143, %select_n3A_1118 : vector<16xi1>, vector<16xi32>
      %select_n3A_1154 = arith.select %eq3A_1151, %gather3A_1150, %select_n3A_1153 : vector<16xi1>, vector<16xi32>
      %eq3A_1155 = arith.cmpi eq, %select_n3A_655, %gather3A_1129 : vector<16xi32>
      %eq3A_1156 = arith.cmpi eq, %select_n3A_655, %gather3A_1136 : vector<16xi32>
      %select_n3A_1157 = arith.select %eq3A_1156, %gather3A_1143, %select_n3A_1122 : vector<16xi1>, vector<16xi32>
      %select_n3A_1158 = arith.select %eq3A_1155, %gather3A_1150, %select_n3A_1157 : vector<16xi1>, vector<16xi32>
      %broadcast_in_dim3A_1159 = arith.constant 0 : i32
      %broadcast_in_dim3A_1160 = vector.broadcast %broadcast_in_dim3A_1159 : i32 to vector<16x1xi32>
      %add3A_1161 = arith.constant 14 : i32
      %add3A_1162 = vector.broadcast %add3A_1161 : i32 to vector<16x1xi32>
      %add3A_1163 = arith.addi %broadcast_in_dim3A_1160, %add3A_1162 : vector<16x1xi32>
      %gather3A_1164 = vector.shape_cast %add3A_1163 : vector<16x1xi32> to vector<16xi32>
      %gather3A_1165 = tpu.dynamic_gather %select_n3A_652[%gather3A_1164] in [0] : vector<16xi32>, vector<16xi32> -> vector<16xi32>
      %broadcast_in_dim3A_1166 = arith.constant 0 : i32
      %broadcast_in_dim3A_1167 = vector.broadcast %broadcast_in_dim3A_1166 : i32 to vector<16x1xi32>
      %add3A_1168 = arith.constant 14 : i32
      %add3A_1169 = vector.broadcast %add3A_1168 : i32 to vector<16x1xi32>
      %add3A_1170 = arith.addi %broadcast_in_dim3A_1167, %add3A_1169 : vector<16x1xi32>
      %gather3A_1171 = vector.shape_cast %add3A_1170 : vector<16x1xi32> to vector<16xi32>
      %gather3A_1172 = tpu.dynamic_gather %select_n3A_655[%gather3A_1171] in [0] : vector<16xi32>, vector<16xi32> -> vector<16xi32>
      %broadcast_in_dim3A_1173 = arith.constant 0 : i32
      %broadcast_in_dim3A_1174 = vector.broadcast %broadcast_in_dim3A_1173 : i32 to vector<16x1xi32>
      %add3A_1175 = arith.constant 14 : i32
      %add3A_1176 = vector.broadcast %add3A_1175 : i32 to vector<16x1xi32>
      %add3A_1177 = arith.addi %broadcast_in_dim3A_1174, %add3A_1176 : vector<16x1xi32>
      %gather3A_1178 = vector.shape_cast %add3A_1177 : vector<16x1xi32> to vector<16xi32>
      %gather3A_1179 = tpu.dynamic_gather %select_n3A_1154[%gather3A_1178] in [0] : vector<16xi32>, vector<16xi32> -> vector<16xi32>
      %broadcast_in_dim3A_1180 = arith.constant 0 : i32
      %broadcast_in_dim3A_1181 = vector.broadcast %broadcast_in_dim3A_1180 : i32 to vector<16x1xi32>
      %add3A_1182 = arith.constant 14 : i32
      %add3A_1183 = vector.broadcast %add3A_1182 : i32 to vector<16x1xi32>
      %add3A_1184 = arith.addi %broadcast_in_dim3A_1181, %add3A_1183 : vector<16x1xi32>
      %gather3A_1185 = vector.shape_cast %add3A_1184 : vector<16x1xi32> to vector<16xi32>
      %gather3A_1186 = tpu.dynamic_gather %select_n3A_1158[%gather3A_1185] in [0] : vector<16xi32>, vector<16xi32> -> vector<16xi32>
      %eq3A_1187 = arith.cmpi eq, %select_n3A_652, %gather3A_1165 : vector<16xi32>
      %eq3A_1188 = arith.cmpi eq, %select_n3A_652, %gather3A_1172 : vector<16xi32>
      %select_n3A_1189 = arith.select %eq3A_1188, %gather3A_1179, %select_n3A_1154 : vector<16xi1>, vector<16xi32>
      %select_n3A_1190 = arith.select %eq3A_1187, %gather3A_1186, %select_n3A_1189 : vector<16xi1>, vector<16xi32>
      %eq3A_1191 = arith.cmpi eq, %select_n3A_655, %gather3A_1165 : vector<16xi32>
      %eq3A_1192 = arith.cmpi eq, %select_n3A_655, %gather3A_1172 : vector<16xi32>
      %select_n3A_1193 = arith.select %eq3A_1192, %gather3A_1179, %select_n3A_1158 : vector<16xi1>, vector<16xi32>
      %select_n3A_1194 = arith.select %eq3A_1191, %gather3A_1186, %select_n3A_1193 : vector<16xi1>, vector<16xi32>
      %broadcast_in_dim3A_1195 = arith.constant 0 : i32
      %broadcast_in_dim3A_1196 = vector.broadcast %broadcast_in_dim3A_1195 : i32 to vector<16x1xi32>
      %add3A_1197 = arith.constant 15 : i32
      %add3A_1198 = vector.broadcast %add3A_1197 : i32 to vector<16x1xi32>
      %add3A_1199 = arith.addi %broadcast_in_dim3A_1196, %add3A_1198 : vector<16x1xi32>
      %gather3A_1200 = vector.shape_cast %add3A_1199 : vector<16x1xi32> to vector<16xi32>
      %gather3A_1201 = tpu.dynamic_gather %select_n3A_652[%gather3A_1200] in [0] : vector<16xi32>, vector<16xi32> -> vector<16xi32>
      %broadcast_in_dim3A_1202 = arith.constant 0 : i32
      %broadcast_in_dim3A_1203 = vector.broadcast %broadcast_in_dim3A_1202 : i32 to vector<16x1xi32>
      %add3A_1204 = arith.constant 15 : i32
      %add3A_1205 = vector.broadcast %add3A_1204 : i32 to vector<16x1xi32>
      %add3A_1206 = arith.addi %broadcast_in_dim3A_1203, %add3A_1205 : vector<16x1xi32>
      %gather3A_1207 = vector.shape_cast %add3A_1206 : vector<16x1xi32> to vector<16xi32>
      %gather3A_1208 = tpu.dynamic_gather %select_n3A_655[%gather3A_1207] in [0] : vector<16xi32>, vector<16xi32> -> vector<16xi32>
      %broadcast_in_dim3A_1209 = arith.constant 0 : i32
      %broadcast_in_dim3A_1210 = vector.broadcast %broadcast_in_dim3A_1209 : i32 to vector<16x1xi32>
      %add3A_1211 = arith.constant 15 : i32
      %add3A_1212 = vector.broadcast %add3A_1211 : i32 to vector<16x1xi32>
      %add3A_1213 = arith.addi %broadcast_in_dim3A_1210, %add3A_1212 : vector<16x1xi32>
      %gather3A_1214 = vector.shape_cast %add3A_1213 : vector<16x1xi32> to vector<16xi32>
      %gather3A_1215 = tpu.dynamic_gather %select_n3A_1190[%gather3A_1214] in [0] : vector<16xi32>, vector<16xi32> -> vector<16xi32>
      %broadcast_in_dim3A_1216 = arith.constant 0 : i32
      %broadcast_in_dim3A_1217 = vector.broadcast %broadcast_in_dim3A_1216 : i32 to vector<16x1xi32>
      %add3A_1218 = arith.constant 15 : i32
      %add3A_1219 = vector.broadcast %add3A_1218 : i32 to vector<16x1xi32>
      %add3A_1220 = arith.addi %broadcast_in_dim3A_1217, %add3A_1219 : vector<16x1xi32>
      %gather3A_1221 = vector.shape_cast %add3A_1220 : vector<16x1xi32> to vector<16xi32>
      %gather3A_1222 = tpu.dynamic_gather %select_n3A_1194[%gather3A_1221] in [0] : vector<16xi32>, vector<16xi32> -> vector<16xi32>
      %eq3A_1223 = arith.cmpi eq, %select_n3A_652, %gather3A_1201 : vector<16xi32>
      %eq3A_1224 = arith.cmpi eq, %select_n3A_652, %gather3A_1208 : vector<16xi32>
      %select_n3A_1225 = arith.select %eq3A_1224, %gather3A_1215, %select_n3A_1190 : vector<16xi1>, vector<16xi32>
      %select_n3A_1226 = arith.select %eq3A_1223, %gather3A_1222, %select_n3A_1225 : vector<16xi1>, vector<16xi32>
      %eq3A_1227 = arith.cmpi eq, %select_n3A_655, %gather3A_1201 : vector<16xi32>
      %eq3A_1228 = arith.cmpi eq, %select_n3A_655, %gather3A_1208 : vector<16xi32>
      %select_n3A_1229 = arith.select %eq3A_1228, %gather3A_1215, %select_n3A_1194 : vector<16xi1>, vector<16xi32>
      %select_n3A_1230 = arith.select %eq3A_1227, %gather3A_1222, %select_n3A_1229 : vector<16xi1>, vector<16xi32>
      %dma_wait3A = arith.constant 0 : i32
      %dma_wait3A_1231 = tpu.memref_slice %arg2[%arg1, %dma_wait3A] : memref<16x2048xi32, #tpu.memory_space<hbm>> -> memref<1x2048xi32, #tpu.memory_space<hbm>>
      %dma_wait3A_1232 = tpu.memref_squeeze %dma_wait3A_1231 : memref<1x2048xi32, #tpu.memory_space<hbm>> -> memref<2048xi32, #tpu.memory_space<hbm>>
      %dma_wait3A_1233 = arith.constant 0 : i32
      %dma_wait3A_1234 = tpu.memref_slice %arg2[%arg1, %dma_wait3A_1233] : memref<16x2048xi32, #tpu.memory_space<hbm>> -> memref<1x2048xi32, #tpu.memory_space<hbm>>
      %dma_wait3A_1235 = tpu.memref_squeeze %dma_wait3A_1234 : memref<1x2048xi32, #tpu.memory_space<hbm>> -> memref<2048xi32, #tpu.memory_space<hbm>>
      tpu.wait_dma2 semaphore(%arg5 : memref<!tpu.dma_semaphore, #tpu.memory_space<semaphore_mem>>) src(%dma_wait3A_1235 : memref<2048xi32, #tpu.memory_space<hbm>>) dst(%arg4 : memref<2048xi32, #tpu.memory_space<vmem>>)
      %gather3A_1236 = tpu.vector_load_idx %arg4[%select_n3A_1226] : memref<2048xi32, #tpu.memory_space<vmem>>[vector<16xi32>], vector<16xi32>,
      %gather3A_1237 = tpu.vector_load_idx %arg4[%select_n3A_1230] : memref<2048xi32, #tpu.memory_space<vmem>>[vector<16xi32>], vector<16xi32>,
      tpu.vector_store_idx %arg4[%select_n3A_652], %gather3A_1236 : memref<2048xi32, #tpu.memory_space<vmem>>[vector<16xi32>], vector<16xi32>,
      tpu.vector_store_idx %arg4[%select_n3A_655], %gather3A_1237 : memref<2048xi32, #tpu.memory_space<vmem>>[vector<16xi32>], vector<16xi32>,
      "tpu.region"() ({
        %run_scoped3A = tpu.sem_alloc : memref<!tpu.dma_semaphore, #tpu.memory_space<semaphore_mem>>
        %dma_start3A_1238 = arith.constant 0 : i32
        %dma_start3A_1239 = tpu.memref_slice %arg3[%arg1, %dma_start3A_1238] : memref<16x2048xi32, #tpu.memory_space<hbm>> -> memref<1x2048xi32, #tpu.memory_space<hbm>>
        %dma_start3A_1240 = tpu.memref_squeeze %dma_start3A_1239 : memref<1x2048xi32, #tpu.memory_space<hbm>> -> memref<2048xi32, #tpu.memory_space<hbm>>
        %dma_start3A_1241 = arith.constant 0 : i32
        %dma_start3A_1242 = tpu.memref_slice %arg3[%arg1, %dma_start3A_1241] : memref<16x2048xi32, #tpu.memory_space<hbm>> -> memref<1x2048xi32, #tpu.memory_space<hbm>>
        %dma_start3A_1243 = tpu.memref_squeeze %dma_start3A_1242 : memref<1x2048xi32, #tpu.memory_space<hbm>> -> memref<2048xi32, #tpu.memory_space<hbm>>
        tpu.enqueue_dma source(%arg4 : memref<2048xi32, #tpu.memory_space<vmem>>) target(%dma_start3A_1243 : memref<2048xi32, #tpu.memory_space<hbm>>) target_semaphore(%run_scoped3A : memref<!tpu.dma_semaphore, #tpu.memory_space<semaphore_mem>>)
        %dma_wait3A_1244 = arith.constant 0 : i32
        %dma_wait3A_1245 = tpu.memref_slice %arg3[%arg1, %dma_wait3A_1244] : memref<16x2048xi32, #tpu.memory_space<hbm>> -> memref<1x2048xi32, #tpu.memory_space<hbm>>
        %dma_wait3A_1246 = tpu.memref_squeeze %dma_wait3A_1245 : memref<1x2048xi32, #tpu.memory_space<hbm>> -> memref<2048xi32, #tpu.memory_space<hbm>>
        %dma_wait3A_1247 = arith.constant 0 : i32
        %dma_wait3A_1248 = tpu.memref_slice %arg3[%arg1, %dma_wait3A_1247] : memref<16x2048xi32, #tpu.memory_space<hbm>> -> memref<1x2048xi32, #tpu.memory_space<hbm>>
        %dma_wait3A_1249 = tpu.memref_squeeze %dma_wait3A_1248 : memref<1x2048xi32, #tpu.memory_space<hbm>> -> memref<2048xi32, #tpu.memory_space<hbm>>
        tpu.wait_dma2 semaphore(%run_scoped3A : memref<!tpu.dma_semaphore, #tpu.memory_space<semaphore_mem>>) src(%arg4 : memref<2048xi32, #tpu.memory_space<vmem>>) dst(%dma_wait3A_1249 : memref<2048xi32, #tpu.memory_space<hbm>>)
        tpu.yield
      }) : () -> ()
    } else {
    }
    return
  }
}

</mosaic_0001>

<sc_bundles>
// kernel: kernel.3.cloned.1.call-start
scs
__scs_entry_jumppad:
0x0: {  	(pc) =	sbr.rel $0x88, $3  }
0x1: {  	(tag) =	ssettag $0x0;
	lr =	simm.s32 $0x1  }
0x2: {  	[smem:$0x3FA0] =	sst lr;
	_ =	strace $0xD0000000  }
0x3: {  	_ = 	snop  }
0x4: {  	_ = 	snop  }
0x5: {  	_ = 	snop  }
0x6: {  	_ = 	snop  }
0x7: {  	_ = 	snop  }
__scs_overlays_trampoline_lowered:
0x8: {  	[smem:$0x3FAF] =	sst s0  }
0x9: {  	[smem:$0x3FB0] =	sst s1  }
0xa: {  	[smem:$0x3FB1] =	sst s2  }
0xb: {  	[smem:$0x3FB2] =	sst s3  }
0xc: {  	[smem:$0x3FB3] =	sst s4  }
0xd: {  	[smem:$0x3FB4] =	sst s5  }
0xe: {  	[smem:$0x3FB5] =	sst s6  }
0xf: {  	[smem:$0x3FB6] =	sst s7  }
0x10: {  	[smem:$0x3FB7] =	sst s8  }
0x11: {  	[smem:$0x3FB8] =	sst s9;
	s0 =	simm.s32 @!p0 $0x0  }
0x12: {  	s1 =	sld [smem:$0x3F9E];
	s0 =	simm.s32 @p0 $0x1  }
0x13: {  	[smem:$0x3FB9] =	sst s0;
	s0 =	simm.s32 @!p1 $0x0  }
0x14: {  	s2 =	sld [smem:$0x3F9D];
	s0 =	simm.s32 @p1 $0x1  }
0x15: {  	[smem:$0x3FBA] =	sst s0;
	s0 =	simm.s32 @!p2 $0x0  }
0x16: {  	s3 =	sld [smem:$0x3FDB];
	s0 =	simm.s32 @p2 $0x1  }
0x17: {  	s4 =	simm.s32 $0x1BF5;
	[smem:$0x3FBC] =	sst s0  }
0x18: {  	s0 =	sld [smem:$0x3F9F];
	_ =	swait.ge [sflag:s4], $0x0  }
0x19: {  	s7 =	sld [smem:$0x3FA0]  }
0x1a: {  	s8 =	sadd.s32 $0xFFFFE003, lr  }
0x1b: {  	s9 =	sadd.s32 $0xFFFFFEF7, lr;
	s5 =	simm.s32 $0xFFFFFFFF;
	p2 =	slt.u32 s8, $0xFFFFF086  }
0x1c: {  	p1 =	slt.u32 s9, $0xF7A;
	s5 =	simm.s32 @!p2 $0x0  }
0x1d: {  	s5 =	simm.s32 @p1 $0x1;
	p0 =	seq.s32 s7, s2  }
0x1e: {  	s7 =	smul.u32 @!p0 $0xF7A, s2;
	p2 =	seq.s32 @!p0 s5, $0x0  }
0x1f: {  	s9 =	smul.u32 $0xF7A, s1;
	s8 =	simm.s32 @!p0 $0x1BF5;
	p2 =	por !p2, p0  }
0x20: {  	[sflag:s8] =	ssyncset.s32 @!p0 $0xFFFFF086;
	s6 =	sadd.s32 @!p0 s3, s7;
	s7 =	simm.s32 @!p0 $0x108  }
0x21: {  	s3 =	sadd.s32 s3, s9;
	s6 =	sadd.s32 @!p0 $0x88, s6;
	s7 =	simm.s32 @p2 $0x1082  }
0x22: {  	[simem:s7], [sflag:s8] =	dma.local @!p0 [hbm:s6], $0xF7A  }
0x23: {  	s9 =	sor.u32 $0xD0000000, s2;
	s6 =	simm.s32 $0x108;
	_ =	swait.ge @!p0 [sflag:s8], $0x0  }
0x24: {  	s3 =	sadd.s32 $0x88, s3;
	s6 =	simm.s32 @!p1 $0x1082;
	[sflag:s4] =	ssyncset.s32 $0xFFFFF086  }
0x25: {  	[simem:s6], [sflag:s4] =	dma.local [hbm:s3], $0xF7A  }
0x26: {  	[smem:$0x3FA0] =	sst s1;
	(tag) =	ssettag s2;
	_ =	strace s9  }
0x27: {  	s1 =	sld [smem:$0x3FB0]  }
0x28: {  	s2 =	sld [smem:$0x3FB1]  }
0x29: {  	s4 =	sld [smem:$0x3FB3]  }
0x2a: {  	p0 =	seq.s32 s5, $0x0;
	s5 =	sld [smem:$0x3FB4]  }
0x2b: {  	s6 =	sld [smem:$0x3FB5]  }
0x2c: {  	s7 =	sld [smem:$0x3FB6]  }
0x2d: {  	s3 =	simm.s32 $0x108;
	s8 =	sld [smem:$0x3FB7]  }
0x2e: {  	s3 =	simm.s32 @!p0 $0x1082;
	s9 =	sld [smem:$0x3FB8]  }
0x2f: {  	lr =	sadd.s32 s0, s3;
	s0 =	sld [smem:$0x3FAF]  }
0x30: {  	s3 =	sld [smem:$0x3FB2]  }
0x31: {  	[smem:$0x3FBB] =	sst s10  }
0x32: {  	s10 =	sld [smem:$0x3FB9];
	_ =	sdelay $0x3  }
0x33: {  	p0 =	seq.s32 s10, $0x1;
	s10 =	sld [smem:$0x3FBB];
	_ =	sdelay $0x3  }
0x34: {  	[smem:$0x3FBB] =	sst s10  }
0x35: {  	s10 =	sld [smem:$0x3FBA];
	_ =	sdelay $0x3  }
0x36: {  	p1 =	seq.s32 s10, $0x1;
	s10 =	sld [smem:$0x3FBB];
	_ =	sdelay $0x3  }
0x37: {  	[smem:$0x3FBB] =	sst s10  }
0x38: {  	s10 =	sld [smem:$0x3FBC]  }
0x39: {  	_ = 	snop;
	(pc) =	sbr.ind lr, $3  }
0x3a: {  	_ = 	snop  }
0x3b: {  	_ = 	snop  }
0x3c: {  	p2 =	seq.s32 s10, $0x1;
	s10 =	sld [smem:$0x3FBB]  }
0x3d: {  	_ =	shalt  }
0x3e: {  	_ =	shalt  }
0x3f: {  	_ =	shalt  }
0x40: {  	_ =	shalt  }
0x41: {  	_ =	shalt  }
0x42: {  	_ =	shalt  }
0x43: {  	_ =	shalt  }
0x44: {  	_ =	shalt  }
0x45: {  	_ =	shalt  }
0x46: {  	_ =	shalt  }
0x47: {  	_ =	shalt  }
0x48: {  	_ =	shalt  }
0x49: {  	_ =	shalt  }
0x4a: {  	_ =	shalt  }
0x4b: {  	_ =	shalt  }
0x4c: {  	_ =	shalt  }
0x4d: {  	_ =	shalt  }
0x4e: {  	_ =	shalt  }
0x4f: {  	_ =	shalt  }
0x50: {  	_ =	shalt  }
0x51: {  	_ =	shalt  }
0x52: {  	_ =	shalt  }
0x53: {  	_ =	shalt  }
0x54: {  	_ =	shalt  }
0x55: {  	_ =	shalt  }
0x56: {  	_ =	shalt  }
0x57: {  	_ =	shalt  }
0x58: {  	_ =	shalt  }
0x59: {  	_ =	shalt  }
0x5a: {  	_ =	shalt  }
0x5b: {  	_ =	shalt  }
0x5c: {  	_ =	shalt  }
0x5d: {  	_ =	shalt  }
0x5e: {  	_ =	shalt  }
0x5f: {  	_ =	shalt  }
0x60: {  	_ =	shalt  }
0x61: {  	_ =	shalt  }
0x62: {  	_ =	shalt  }
0x63: {  	_ =	shalt  }
0x64: {  	_ =	shalt  }
0x65: {  	_ =	shalt  }
0x66: {  	_ =	shalt  }
0x67: {  	_ =	shalt  }
0x68: {  	_ =	shalt  }
0x69: {  	_ =	shalt  }
0x6a: {  	_ =	shalt  }
0x6b: {  	_ =	shalt  }
0x6c: {  	_ =	shalt  }
0x6d: {  	_ =	shalt  }
0x6e: {  	_ =	shalt  }
0x6f: {  	_ =	shalt  }
0x70: {  	_ =	shalt  }
0x71: {  	_ =	shalt  }
0x72: {  	_ =	shalt  }
0x73: {  	_ =	shalt  }
0x74: {  	_ =	shalt  }
0x75: {  	_ =	shalt  }
0x76: {  	_ =	shalt  }
0x77: {  	_ =	shalt  }
0x78: {  	_ =	shalt  }
0x79: {  	_ =	shalt  }
0x7a: {  	_ =	shalt  }
0x7b: {  	_ =	shalt  }
0x7c: {  	_ =	shalt  }
0x7d: {  	_ =	shalt  }
0x7e: {  	_ =	shalt  }
0x7f: {  	_ =	shalt  }
0x80: {  	_ =	shalt  }
0x81: {  	_ =	shalt  }
0x82: {  	_ =	shalt  }
0x83: {  	_ =	shalt  }
0x84: {  	_ =	shalt  }
0x85: {  	_ =	shalt  }
0x86: {  	_ =	shalt  }
0x87: {  	_ =	shalt  }
.Lfunc_end0:
.L_simem_size_0:
called_computation_lowered:
.L_overlay_start_0:
0x88: {  	s0 =	sld [smem:$0x3FD9]  }
0x89: {  	s1 =	sld [smem:$0x3FFE];
	_ =	sdelay $0x3  }
0x8a: {  	s0 =	sadd.s32 s1, s0  }
0x8b: {  	[smem:$0x3FC7] =	sst s0  }
0x8c: {  	_ = 	snop  }
0x8d: {  	s0 =	sld [smem:$0x3FC9]  }
0x8e: {  	s17 =	sld [smem:$0x3FD0];
	(tm) =	ssettm $0x1  }
0x8f: {  	s2 =	sld [smem:$0x3FFB];
	_ =	sdelay $0x3  }
0x90: {  	_ =	strace s2  }
0x91: {  	s2 =	sld [smem:$0x3FFC];
	_ =	sdelay $0x3  }
0x92: {  	_ =	strace s2  }
0x93: {  	s2 =	sld [smem:$0x3FFD];
	_ =	sdelay $0x3  }
0x94: {  	_ =	strace s2  }
0x95: {  	_ =	strace $0x8FFFFFFF  }
0x96: {  	s18 =	sld [smem:$0x3FDB];
	_ =	sdelay $0x1  }
0x97: {  	s3 =	simm.s32 $_scs_section_size  }
0x98: {  	s4 =	simm.s32 $_size__tile_overlayer_lowered;
	s5 =	simm.s32 $_tile_overlayer_lowered  }
0x99: {  	s21 =	simm.s32 $0x1BFF;
	s20 =	sshll.u32 s5, $0x1;
	s2 =	sadd.s32 s3, s18  }
0x9a: {  	s6 =	simm.s32 $0x0;
	s19 =	sshll.u32 s4, $0x1;
	s4 =	sadd.s32 s20, s2  }
0x9b: {  	[timem:s6], [sflag:s21] =	dma.local [hbm:s4], s19  }
0x9c: {  	_ =	swait.ge [sflag:s21], s19  }
0x9d: {  	s3 =	ssub.s32 $0x0, s19;
	[sflag:s21] =	ssyncset.done $0x0  }
0x9e: {  	[sflag:s21] =	ssyncadd.s32 s3;
	_ =	sdelay $0x1  }
0x9f: {  	s22 =	simm.s32 $0x1B8B  }
0xa0: {  	_ =	swait.ge [sflag:s22], $0x1  }
0xa1: {  	[sflag:s22] =	ssyncset.done $0x0  }
0xa2: {  	s23 =	simm.s32 $0x1B8E;
	[sflag:s22] =	ssyncadd.s32 $0xFFFFFFFF  }
0xa3: {  	s24 =	simm.s32 $execute0_lowered;
	[smem:$0x3FD2] =	sst s23  }
0xa4: {  	s3 =	sshll.u32 s24, $0x1;
	_ =	strace $0x80000046;
	[dreg:$0x1] =	wrdreg $0xFFFFFFFF  }
0xa5: {  	s25 =	simm.s32 $_size_execute0_lowered;
	s2 =	sadd.s32 s2, s3;
	[dreg:$0x0] =	wrdreg $0x0  }
0xa6: {  	s3 =	sshll.u32 s25, $0x1;
	[dreg:$0x2] =	wrdreg s2  }
0xa7: {  	[dreg:$0x3] =	wrdreg s3  }
0xa8: {  	[dreg:$0x4] =	wrdreg $0xC0  }
0xa9: {  	_ =	task [dreg:s6], $0x5FFFF  }
0xaa: {  	[dreg:$0x1] =	wrdreg $0xFFFFFFFF  }
0xab: {  	[dreg:$0x0] =	wrdreg $0x60  }
0xac: {  	[dreg:$0x2] =	wrdreg s0  }
0xad: {  	[dreg:$0x3] =	wrdreg s17  }
0xae: {  	[dreg:$0x4] =	wrdreg $0x9  }
0xaf: {  	_ =	task.clear_ibuf [dreg:s6], $0x5FFFF;
	_ =	strace $0x90000046  }
0xb0: {  	s26 =	simm.s32 $0x9;
	_ =	strace $0x80000048  }
0xb1: {  	_ =	swait.ge [sflag:s26], $0x1  }
0xb2: {  	[sflag:s26] =	ssyncadd.s32 $0xFFFFFFFF  }
0xb3: {  	_ =	strace $0x90000048  }
0xb4: {  	_ =	sfence  }
0xb5: {  	s28 =	sld [smem:$0x0];
	_ =	sdelay $0x1  }
0xb6: {  	s29 =	srdreg.scid  }
0xb7: {  	s30 =	sshll.u32 s29, $0xD;
	s31 =	sshrl.u32 s29, $0x2  }
0xb8: {  	s1 =	sand.u32 $0x1, s29;
	s2 =	sand.u32 $0x4000, s30;
	s0 =	sadd.s32 s31, s28  }
0xb9: {  	s1 =	sor.u32 s2, s1;
	s0 =	sshll.u32 s0, $0x11  }
0xba: {  	s0 =	sor.u32 s0, s1  }
0xbb: {  	s0 =	sadd.s32 $0x8F2B, s0  }
0xbc: {  	[sflag:s0] =	ssyncadd.remote.s32 $0x1  }
0xbd: {  	_ =	sfence.sel $0xFFFF  }
0xbe: {  	[dreg:$0x0] =	wrdreg $0xFFFFFFFF;
	(pc) =	sbr.abs _section_cstart, $3  }
0xbf: {  	[dreg:$0x1] =	wrdreg $0xFFFFFFFF  }
0xc0: {  	_ =	task.clear_ibuf [dreg:s6], $0x2FFFF;
	_ =	strace $0x9FFFFFFF  }
0xc1: {  	(tm) =	ssettm $0x7FFFFFFF  }
tec
execute0_lowered:
.L_overlay_start_1:
0x0: {  	(tag) =	ssettag $0x1  }
0x1: {  	s0 =	stileid.u32  }
0x2: {  	s4 =	rddreg [dreg:$0x0];
	s5 =	sshll.u32 s0, $0xB;
	s3 =	sshll.u32 s0, $0x7  }
0x3: {  	s2 =	rddreg [dreg:$0x1];
	s3 =	sor.u32 s3, s5  }
0x4: {  	s1 =	rddreg [dreg:$0x2];
	s6 =	simm.s32 $0x0;
	s3 =	sand.u32 $0x4380, s3  }
0x5: {  	s7 =	simm.s32 $0x80;
	[smem:$0x7FF] =	sst s6;
	s3 =	sshrl.u32 s3, $0x3  }
0x6: {  	s8 =	simm.s32 $0x400;
	v3 =	vlaneseq.u32;
	_ =	strace $0x80000047;
	s4 =	sadd.s32 s4, s3  }
0x7: {  	v4 =	vimm.s32 $0x0;
	v0 =	vadd.s32 $0x1022172D, v3;
	[tilespmem:s6], [sflag:$0x1] =	stream.strided.gather [hbm4b:s4+s7], $0x800, s8, s7, $0x38;
	[tilespmem:$0x800] =	vst v63  }
0x8: {  	v1 =	vadd.s32 $0x7D601BBC, v3;
	v2 =	vadd.s32 $0x1022173D, v3;
	v3 =	vadd.s32 $0x7D601BCC, v3;
	s4 =	simm.s32 $0x0  }
.LBB2_1:
0x9: {  	v5 =	vadd.s32 s5, v0  }
0xa: {  	v5 =	vshll.u32 v5, $0xD  }
0xb: {  	v6 =	vadd.s32 s5, v1;
	v5 =	vor.u32 $0x204, v5  }
0xc: {  	v5 =	vxor.u32 v6, v5  }
0xd: {  	v7 =	vshrl.u32 v5, $0x11;
	v8 =	vshll.u32 v5, $0xF  }
0xe: {  	v5 =	vadd.s32 v6, v5;
	v6 =	vor.u32 v7, v8  }
0xf: {  	v6 =	vxor.u32 v5, v6  }
0x10: {  	v7 =	vshrl.u32 v6, $0x6;
	v49 =	vshll.u32 v6, $0x1A  }
0x11: {  	v5 =	vadd.s32 v5, v6;
	v6 =	vor.u32 v7, v49  }
0x12: {  	v6 =	vxor.u32 v5, v6  }
0x13: {  	v7 =	vshrl.u32 v6, $0x1A;
	v50 =	vshll.u32 v6, $0x6  }
0x14: {  	v5 =	vadd.s32 v5, v6;
	v6 =	vor.u32 v7, v50  }
0x15: {  	v6 =	vxor.u32 v5, v6  }
0x16: {  	v6 =	vadd.s32 $0x66CD0879, v6  }
0x17: {  	v5 =	vadd.s32 v6, v5;
	v7 =	vshrl.u32 v6, $0xF;
	v6 =	vshll.u32 v6, $0x11  }
0x18: {  	v5 =	vadd.s32 $0x1022172D, v5;
	v6 =	vor.u32 v7, v6  }
0x19: {  	v6 =	vxor.u32 v5, v6  }
0x1a: {  	v7 =	vshrl.u32 v6, $0x3;
	v51 =	vshll.u32 v6, $0x1D  }
0x1b: {  	v5 =	vadd.s32 v5, v6;
	v6 =	vor.u32 v7, v51;
	v7 =	vadd.s32 s5, v2  }
0x1c: {  	v6 =	vxor.u32 v5, v6;
	v7 =	vshll.u32 v7, $0xD  }
0x1d: {  	v5 =	vadd.s32 v5, v6;
	v52 =	vshrl.u32 v6, $0x10;
	v6 =	vshll.u32 v6, $0x10  }
0x1e: {  	v53 =	vadd.s32 s5, v3;
	v7 =	vor.u32 $0x204, v7;
	v6 =	vor.u32 v52, v6  }
0x1f: {  	v7 =	vxor.u32 v53, v7;
	v6 =	vxor.u32 v5, v6  }
0x20: {  	v10 =	vshrl.u32 v7, $0x11;
	v11 =	vshll.u32 v7, $0xF;
	v7 =	vadd.s32 v53, v7  }
0x21: {  	v9 =	vshrl.u32 v6, $0x8;
	v54 =	vshll.u32 v6, $0x18;
	v10 =	vor.u32 v10, v11  }
0x22: {  	v5 =	vadd.s32 v5, v6;
	v6 =	vor.u32 v9, v54;
	v55 =	vxor.u32 v7, v10  }
0x23: {  	v6 =	vxor.u32 v5, v6;
	v56 =	vshrl.u32 v55, $0x6;
	v10 =	vshll.u32 v55, $0x1A  }
0x24: {  	v7 =	vadd.s32 v7, v55;
	v6 =	vadd.s32 $0x6D3E0491, v6;
	v57 =	vor.u32 v56, v10  }
0x25: {  	v5 =	vadd.s32 v6, v5;
	v8 =	vxor.u32 v7, v57  }
0x26: {  	v58 =	vshrl.u32 v6, $0x13;
	v59 =	vshrl.u32 v8, $0x1A;
	v60 =	vshll.u32 v8, $0x6  }
0x27: {  	v6 =	vshll.u32 v6, $0xD;
	v7 =	vadd.s32 v7, v8;
	v61 =	vor.u32 v59, v60  }
0x28: {  	v5 =	vadd.s32 $0x66CD0878, v5;
	v6 =	vor.u32 v58, v6;
	v8 =	vxor.u32 v7, v61  }
0x29: {  	v6 =	vxor.u32 v5, v6;
	v8 =	vadd.s32 $0x66CD0879, v8  }
0x2a: {  	v7 =	vadd.s32 v8, v7;
	v62 =	vshrl.u32 v8, $0xF;
	v8 =	vshll.u32 v8, $0x11  }
0x2b: {  	v5 =	vadd.s32 v5, v6;
	v7 =	vadd.s32 $0x1022172D, v7;
	v8 =	vor.u32 v62, v8  }
0x2c: {  	v63 =	vshrl.u32 v6, $0x11;
	v6 =	vshll.u32 v6, $0xF;
	v8 =	vxor.u32 v7, v8  }
0x2d: {  	v6 =	vor.u32 v63, v6;
	v12 =	vshrl.u32 v8, $0x3;
	v13 =	vshll.u32 v8, $0x1D  }
0x2e: {  	v6 =	vxor.u32 v5, v6;
	v7 =	vadd.s32 v7, v8;
	v14 =	vor.u32 v12, v13  }
0x2f: {  	v5 =	vadd.s32 v5, v6;
	v15 =	vshrl.u32 v6, $0x6;
	v8 =	vxor.u32 v7, v14  }
0x30: {  	v6 =	vshll.u32 v6, $0x1A;
	v16 =	vshrl.u32 v8, $0x10;
	v17 =	vshll.u32 v8, $0x10  }
0x31: {  	v6 =	vor.u32 v15, v6;
	v7 =	vadd.s32 v7, v8;
	v18 =	vor.u32 v16, v17  }
0x32: {  	v6 =	vxor.u32 v5, v6;
	v8 =	vxor.u32 v7, v18  }
0x33: {  	v19 =	vshrl.u32 v6, $0x1A;
	v20 =	vshrl.u32 v8, $0x8;
	v21 =	vshll.u32 v8, $0x18  }
0x34: {  	v22 =	vshll.u32 v6, $0x6;
	v7 =	vadd.s32 v7, v8;
	v10 =	vor.u32 v20, v21  }
0x35: {  	v5 =	vadd.s32 v5, v6;
	v6 =	vor.u32 v19, v22;
	v23 =	vxor.u32 v7, v10  }
0x36: {  	v6 =	vxor.u32 v5, v6;
	v8 =	vadd.s32 $0x6D3E0491, v23  }
0x37: {  	v7 =	vadd.s32 v8, v7;
	v24 =	vshrl.u32 v8, $0x13;
	v8 =	vshll.u32 v8, $0xD  }
0x38: {  	v6 =	vadd.s32 $0x10221730, v6;
	v7 =	vadd.s32 $0x66CD0878, v7;
	v8 =	vor.u32 v24, v8  }
0x39: {  	v5 =	vadd.s32 v6, v5;
	v8 =	vxor.u32 v7, v8  }
0x3a: {  	v25 =	vshrl.u32 v6, $0xF;
	v26 =	vshrl.u32 v8, $0x11;
	v27 =	vshll.u32 v8, $0xF  }
0x3b: {  	v6 =	vshll.u32 v6, $0x11;
	v7 =	vadd.s32 v7, v8;
	v28 =	vor.u32 v26, v27  }
0x3c: {  	v5 =	vadd.s32 $0x6D3E048F, v5;
	v6 =	vor.u32 v25, v6;
	v8 =	vxor.u32 v7, v28  }
0x3d: {  	v6 =	vxor.u32 v5, v6;
	v29 =	vshrl.u32 v8, $0x6;
	v30 =	vshll.u32 v8, $0x1A  }
0x3e: {  	v5 =	vadd.s32 v5, v6;
	v7 =	vadd.s32 v7, v8;
	v31 =	vor.u32 v29, v30  }
0x3f: {  	v32 =	vshrl.u32 v6, $0x3;
	v6 =	vshll.u32 v6, $0x1D;
	v8 =	vxor.u32 v7, v31  }
0x40: {  	v6 =	vor.u32 v32, v6;
	v33 =	vshrl.u32 v8, $0x1A;
	v34 =	vshll.u32 v8, $0x6  }
0x41: {  	v6 =	vxor.u32 v5, v6;
	v7 =	vadd.s32 v7, v8;
	v35 =	vor.u32 v33, v34  }
0x42: {  	v36 =	vshrl.u32 v6, $0x10;
	v37 =	vshll.u32 v6, $0x10;
	v8 =	vxor.u32 v7, v35  }
0x43: {  	v5 =	vadd.s32 v5, v6;
	v6 =	vor.u32 v36, v37;
	v8 =	vadd.s32 $0x10221730, v8  }
0x44: {  	v7 =	vadd.s32 v8, v7;
	v38 =	vshrl.u32 v8, $0xF;
	v8 =	vshll.u32 v8, $0x11  }
0x45: {  	v6 =	vxor.u32 v5, v6;
	v7 =	vadd.s32 $0x6D3E048F, v7;
	v8 =	vor.u32 v38, v8  }
0x46: {  	v5 =	vadd.s32 v5, v6;
	v39 =	vshrl.u32 v6, $0x8;
	v8 =	vxor.u32 v7, v8  }
0x47: {  	v6 =	vshll.u32 v6, $0x18;
	v40 =	vshrl.u32 v8, $0x3;
	v41 =	vshll.u32 v8, $0x1D  }
0x48: {  	v6 =	vor.u32 v39, v6;
	v7 =	vadd.s32 v7, v8;
	v42 =	vor.u32 v40, v41  }
0x49: {  	v6 =	vxor.u32 v5, v6;
	v8 =	vxor.u32 v7, v42  }
0x4a: {  	v6 =	vadd.s32 $0x66CD087C, v6;
	v43 =	vshrl.u32 v8, $0x10;
	v44 =	vshll.u32 v8, $0x10  }
0x4b: {  	v5 =	vadd.s32 v6, v5;
	v7 =	vadd.s32 v7, v8;
	v45 =	vor.u32 v43, v44  }
0x4c: {  	v46 =	vshrl.u32 v6, $0x13;
	v6 =	vshll.u32 v6, $0xD;
	v8 =	vxor.u32 v7, v45  }
0x4d: {  	v5 =	vadd.s32 $0x1022172D, v5;
	v47 =	vshrl.u32 v8, $0x8;
	v48 =	vshll.u32 v8, $0x18  }
0x4e: {  	v6 =	vor.u32 v46, v6;
	v7 =	vadd.s32 v7, v8;
	v49 =	vor.u32 v47, v48  }
0x4f: {  	v6 =	vxor.u32 v5, v6;
	v8 =	vxor.u32 v7, v49  }
0x50: {  	v50 =	vshrl.u32 v6, $0x11;
	v8 =	vadd.s32 $0x66CD087C, v8  }
0x51: {  	v7 =	vadd.s32 v8, v7;
	v51 =	vshrl.u32 v8, $0x13;
	v8 =	vshll.u32 v8, $0xD  }
0x52: {  	v52 =	vshll.u32 v6, $0xF;
	v7 =	vadd.s32 $0x1022172D, v7;
	v8 =	vor.u32 v51, v8  }
0x53: {  	v5 =	vadd.s32 v5, v6;
	v6 =	vor.u32 v50, v52;
	v8 =	vxor.u32 v7, v8  }
0x54: {  	v6 =	vxor.u32 v5, v6;
	v53 =	vshrl.u32 v8, $0x11;
	v54 =	vshll.u32 v8, $0xF  }
0x55: {  	v5 =	vadd.s32 v5, v6;
	v7 =	vadd.s32 v7, v8;
	v55 =	vor.u32 v53, v54  }
0x56: {  	v56 =	vshrl.u32 v6, $0x6;
	v6 =	vshll.u32 v6, $0x1A;
	v8 =	vxor.u32 v7, v55  }
0x57: {  	v6 =	vor.u32 v56, v6;
	v57 =	vshrl.u32 v8, $0x6;
	v58 =	vshll.u32 v8, $0x1A  }
0x58: {  	v6 =	vxor.u32 v5, v6;
	v7 =	vadd.s32 v7, v8;
	v59 =	vor.u32 v57, v58  }
0x59: {  	v5 =	vadd.s32 v5, v6;
	v60 =	vshrl.u32 v6, $0x1A;
	v8 =	vxor.u32 v7, v59  }
0x5a: {  	v6 =	vshll.u32 v6, $0x6;
	v61 =	vshrl.u32 v8, $0x1A;
	v62 =	vshll.u32 v8, $0x6  }
0x5b: {  	v6 =	vor.u32 v60, v6;
	v7 =	vadd.s32 v7, v8;
	v63 =	vor.u32 v61, v62  }
0x5c: {  	v6 =	vxor.u32 v5, v6;
	v5 =	vadd.s32 $0x66CD0878, v5;
	v8 =	vxor.u32 v7, v63  }
0x5d: {  	v6 =	vadd.s32 $0x6D3E0494, v6;
	v7 =	vadd.s32 $0x66CD0878, v7;
	v8 =	vadd.s32 $0x6D3E0494, v8  }
0x5e: {  	v5 =	vxor.u32 v5, v6;
	v6 =	vxor.u32 v7, v8  }
0x5f: {  	vm0 =	vlt.u32 v5, $0x19999A00;
	vm1 =	vlt.u32 v6, $0x19999A00  }
0x60: {  	v5 =	vsel vm0, $0x1, v4;
	v6 =	vsel vm1, $0x1, v4  }
0x61: {  	v5 =	vadd.s32 v6, v5  }
0x62: {  	(xrf0) =	vadd.scan.msk.s32 $0xffff, v5;
	_ =	sdelay $0x5  }
0x63: {  	v5, _, _ =	vpop (xrf0)  }
0x64: {  	(v2sf) =	vpush v5, $0xF;
	_ =	sdelay $0xe  }
0x65: {  	s7 =	spop (v2sf)  }
0x66: {  	s4 =	sadd.s32 s4, s7  }
0x67: {  	p0 =	sgt.s32 s4, $0xF  }
0x68: {  	p1 =	slt.u32 @!p0 s6, $0x7E  }
0x69: {  	p0 =	por p0, !p1  }
.Ltmp0:
0x6a: {  	_ = 	snop;
	(pc) =	sbr.rel @!p0 .LBB2_1-.Ltmp0, $2  }
0x6b: {  	_ =	sdelay $0x2  }
0x6c: {  	s5 =	sadd.s32 $0x20, s5;
	s6 =	sadd.s32 $0x2, s6  }
0x6d: {  	v0 =	vimm.s32 $0x6AA8D058  }
0x6e: {  	vm14 =	vcmask $0x300;
	vm13 =	vcmask $0x704;
	vm11 =	vcmask $0xB08  }
0x6f: {  	v1 =	vimm.s32 $0x3285D9D8;
	vm12 =	vcmask $0xF0C;
	vm3 =	vcmask $0x1310  }
0x70: {  	vm0 =	vcmask $0x1714;
	vm4 =	vcmask $0x1B18;
	vm5 =	vcmask $0x1F1C  }
0x71: {  	vm1 =	vcmask $0x2320;
	vm6 =	vcmask $0x2724;
	vm7 =	vcmask $0x2B28  }
0x72: {  	vm2 =	vcmask $0x2F2C;
	vm8 =	vcmask $0x3330;
	vm9 =	vcmask $0x3734  }
0x73: {  	v2 =	vimm.s32 $0xB6A4C203;
	vm10 =	vcmask $0x3B38;
	v23 =	vimm.s32 $0xC7DD0982  }
0x74: {  	v6 =	vimm.s32 $0xB6A4C202;
	v31 =	vimm.s32 $0x6AA8D05B;
	v39 =	vimm.s32 $0x6AA8D059  }
0x75: {  	v40 =	vimm.s32 $0x3285D9D9;
	v9 =	vimm.s32 $0xC7DD0980;
	v53 =	vimm.s32 $0xB6A4C206  }
0x76: {  	v0 =	vsel vm14, $0x45A3D6BE, v0;
	v1 =	vsel vm14, $0xD1B63D6A, v1;
	v2 =	vsel vm14, $0xD260ABC9, v2  }
0x77: {  	v6 =	vsel vm14, $0xD260ABC8, v6;
	v32 =	vsel vm14, $0x45A3D6C1, v31;
	v9 =	vsel vm14, $0x8C1266AC, v9  }
0x78: {  	v31 =	vimm.s32 $0xC7DD0985;
	v0 =	vsel vm13, $0x12AA0B21, v0;
	v1 =	vsel vm13, $0xBCC35C84, v1  }
0x79: {  	v2 =	vsel vm13, $0xA3624199, v2;
	v25 =	vsel vm13, $0xA3624198, v6;
	v9 =	vsel vm13, $0xAA195163, v9  }
0x7a: {  	v0 =	vsel vm11, $0x67D344BE, v0;
	v1 =	vsel vm11, $0xD9F4CDD4, v1;
	v2 =	vsel vm11, $0xE23D673, v2  }
0x7b: {  	v9 =	vsel vm11, $0x72218916, v9;
	v0 =	vsel vm12, $0xF82F75A0, v0;
	v1 =	vsel vm12, $0x61BEB32D, v1  }
0x7c: {  	v2 =	vsel vm12, $0x8A7153F8, v2;
	v9 =	vsel vm12, $0x698F3D8D, v9;
	v0 =	vsel vm3, $0xDA394072, v0  }
0x7d: {  	v1 =	vsel vm3, $0xBA0125FE, v1;
	v2 =	vsel vm3, $0x1E2FBE25, v2;
	v0 =	vsel vm0, $0xFC0AB783, v0  }
0x7e: {  	v9 =	vsel vm3, $0xDFC7E58C, v9;
	v1 =	vsel vm0, $0xBB08E7A6, v1;
	v0 =	vsel vm4, $0x9641152F, v0  }
0x7f: {  	v2 =	vsel vm0, $0x59259C7B, v2;
	v9 =	vsel vm0, $0xBEFE3023, v9;
	v0 =	vsel vm5, $0x592854C1, v0  }
0x80: {  	v1 =	vsel vm4, $0x7F8648FB, v1;
	v2 =	vsel vm4, $0x64D53D3A, v2;
	v0 =	vsel vm1, $0xEF05ED0E, v0  }
0x81: {  	v9 =	vsel vm4, $0xE94533CC, v9;
	v1 =	vsel vm5, $0x8279B0A6, v1;
	v0 =	vsel vm6, $0x4DA2156E, v0  }
0x82: {  	v2 =	vsel vm5, $0x6BA814FF, v2;
	v1 =	vsel vm1, $0x49AC5E07, v1;
	v0 =	vsel vm7, $0x32B37C0B, v0  }
0x83: {  	v9 =	vsel vm5, $0x29515BE5, v9;
	v1 =	vsel vm6, $0x9C97FCE3, v1;
	v0 =	vsel vm2, $0x2456ED85, v0  }
0x84: {  	v2 =	vsel vm1, $0xAE72862E, v2;
	v1 =	vsel vm7, $0xFB4ECA4D, v1;
	v0 =	vsel vm8, $0x50ABB3A7, v0  }
0x85: {  	v9 =	vsel vm1, $0x5AA670F9, v9;
	v1 =	vsel vm2, $0x6448DD7A, v1;
	v0 =	vsel vm9, $0xC6F9D422, v0  }
0x86: {  	s5 =	sshll.u32 s0, $0x1;
	v2 =	vsel vm6, $0x1886E9C2, v2;
	v1 =	vsel vm8, $0xC3A9BDD4, v1;
	v0 =	vsel vm10, $0xCDA1BEDA, v0  }
0x87: {  	v9 =	vsel vm6, $0x4EF5E775, v9;
	v1 =	vsel vm9, $0x7E0AC87A, v1;
	v3 =	vadd.s32 s5, v0  }
0x88: {  	v1 =	vsel vm10, $0x4D5D2189, v1;
	v4 =	vshrl.u32 v3, $0x13;
	v3 =	vshll.u32 v3, $0xD  }
0x89: {  	v2 =	vsel vm7, $0xE1F92994, v2;
	v1 =	vadd.s32 s5, v1;
	v3 =	vor.u32 v4, v3  }
0x8a: {  	v9 =	vsel vm7, $0xC89B4E42, v9;
	v2 =	vsel vm2, $0x7619AB, v2;
	v3 =	vxor.u32 v1, v3  }
0x8b: {  	v9 =	vsel vm2, $0x3FF1EFF5, v9;
	v14 =	vshrl.u32 v3, $0x11;
	v5 =	vshll.u32 v3, $0xF  }
0x8c: {  	v2 =	vsel vm8, $0x3984A251, v2;
	v1 =	vadd.s32 v1, v3;
	v15 =	vor.u32 v14, v5  }
0x8d: {  	v2 =	vsel vm9, $0x6A383BA1, v2;
	v4 =	vsel vm14, $0x8C1266AE, v23;
	v3 =	vxor.u32 v1, v15  }
0x8e: {  	v4 =	vsel vm13, $0xAA195165, v4;
	v16 =	vshrl.u32 v3, $0x6;
	v17 =	vshll.u32 v3, $0x1A  }
0x8f: {  	v4 =	vsel vm11, $0x72218918, v4;
	v1 =	vadd.s32 v1, v3;
	v18 =	vor.u32 v16, v17  }
0x90: {  	v2 =	vsel vm10, $0xA9CBC7B0, v2;
	v4 =	vsel vm12, $0x698F3D8F, v4;
	v3 =	vxor.u32 v1, v18  }
0x91: {  	v5 =	vsel vm11, $0xE23D672, v25;
	v19 =	vshrl.u32 v3, $0x1A;
	v20 =	vshll.u32 v3, $0x6  }
0x92: {  	v4 =	vsel vm3, $0xDFC7E58E, v4;
	v1 =	vadd.s32 v1, v3;
	v21 =	vor.u32 v19, v20  }
0x93: {  	v5 =	vsel vm12, $0x8A7153F7, v5;
	v4 =	vsel vm0, $0xBEFE3025, v4;
	v3 =	vxor.u32 v1, v21  }
0x94: {  	v5 =	vsel vm3, $0x1E2FBE24, v5;
	v4 =	vsel vm4, $0xE94533CE, v4;
	v3 =	vadd.s32 v2, v3  }
0x95: {  	v1 =	vadd.s32 v3, v1;
	v22 =	vshrl.u32 v3, $0xF;
	v3 =	vshll.u32 v3, $0x11  }
0x96: {  	v4 =	vsel vm5, $0x29515BE7, v4;
	v1 =	vadd.s32 v0, v1;
	v3 =	vor.u32 v22, v3  }
0x97: {  	v5 =	vsel vm0, $0x59259C7A, v5;
	v4 =	vsel vm1, $0x5AA670FB, v4;
	v3 =	vxor.u32 v1, v3  }
0x98: {  	v1 =	vadd.s32 v1, v3;
	v24 =	vshrl.u32 v3, $0x3;
	v3 =	vshll.u32 v3, $0x1D  }
0x99: {  	v5 =	vsel vm4, $0x64D53D39, v5;
	v4 =	vsel vm6, $0x4EF5E777, v4;
	v3 =	vor.u32 v24, v3  }
0x9a: {  	v5 =	vsel vm5, $0x6BA814FE, v5;
	v4 =	vsel vm7, $0xC89B4E44, v4;
	v3 =	vxor.u32 v1, v3  }
0x9b: {  	v1 =	vadd.s32 v1, v3;
	v26 =	vshrl.u32 v3, $0x10;
	v3 =	vshll.u32 v3, $0x10  }
0x9c: {  	v5 =	vsel vm1, $0xAE72862D, v5;
	v4 =	vsel vm2, $0x3FF1EFF7, v4;
	v3 =	vor.u32 v26, v3  }
0x9d: {  	v5 =	vsel vm6, $0x1886E9C1, v5;
	v4 =	vsel vm8, $0x72FE0A2F, v4;
	v3 =	vxor.u32 v1, v3  }
0x9e: {  	v1 =	vadd.s32 v1, v3;
	v27 =	vshrl.u32 v3, $0x8;
	v3 =	vshll.u32 v3, $0x18  }
0x9f: {  	v5 =	vsel vm7, $0xE1F92993, v5;
	v4 =	vsel vm9, $0xB710F45A, v4;
	v3 =	vor.u32 v27, v3  }
0xa0: {  	v5 =	vsel vm2, $0x7619AA, v5;
	v28 =	vsel vm10, $0x7FBB62B1, v4;
	v6 =	vxor.u32 v1, v3  }
0xa1: {  	v9 =	vsel vm8, $0x72FE0A2D, v9;
	v29 =	vsel vm8, $0x3984A250, v5;
	v30 =	vadd.s32 v28, v6  }
0xa2: {  	v9 =	vsel vm9, $0xB710F458, v9;
	v4 =	vsel vm9, $0x6A383BA0, v29;
	v7 =	vadd.s32 v30, v1  }
0xa3: {  	v1 =	vsel vm10, $0xA9CBC7AF, v4;
	v33 =	vshrl.u32 v30, $0x13;
	v5 =	vshll.u32 v30, $0xD  }
0xa4: {  	v4 =	vsel vm13, $0x12AA0B24, v32;
	v7 =	vadd.s32 v1, v7;
	v5 =	vor.u32 v33, v5  }
0xa5: {  	v9 =	vsel vm10, $0x7FBB62AF, v9;
	v4 =	vsel vm11, $0x67D344C1, v4;
	v5 =	vxor.u32 v7, v5  }
0xa6: {  	v4 =	vsel vm12, $0xF82F75A3, v4;
	v34 =	vshrl.u32 v5, $0x11;
	v8 =	vshll.u32 v5, $0xF  }
0xa7: {  	v4 =	vsel vm3, $0xDA394075, v4;
	v5 =	vadd.s32 v7, v5;
	v7 =	vsel vm14, $0x45A3D6BF, v39  }
0xa8: {  	v6 =	vor.u32 v34, v8;
	v4 =	vsel vm0, $0xFC0AB786, v4;
	v7 =	vsel vm13, $0x12AA0B22, v7  }
0xa9: {  	v8 =	vsel vm14, $0xD1B63D6B, v40;
	v6 =	vxor.u32 v5, v6;
	v4 =	vsel vm4, $0x96411532, v4  }
0xaa: {  	v7 =	vsel vm11, $0x67D344BF, v7;
	v8 =	vsel vm13, $0xBCC35C85, v8;
	v35 =	vshrl.u32 v6, $0x6  }
0xab: {  	v36 =	vshll.u32 v6, $0x1A;
	v4 =	vsel vm5, $0x592854C4, v4;
	v5 =	vadd.s32 v5, v6  }
0xac: {  	v7 =	vsel vm12, $0xF82F75A1, v7;
	v8 =	vsel vm11, $0xD9F4CDD5, v8;
	v37 =	vor.u32 v35, v36  }
0xad: {  	v4 =	vsel vm1, $0xEF05ED11, v4;
	v7 =	vsel vm3, $0xDA394073, v7;
	v8 =	vsel vm12, $0x61BEB32E, v8  }
0xae: {  	v6 =	vxor.u32 v5, v37;
	v4 =	vsel vm6, $0x4DA21571, v4;
	v7 =	vsel vm0, $0xFC0AB784, v7  }
0xaf: {  	v8 =	vsel vm3, $0xBA0125FF, v8;
	v5 =	vadd.s32 v5, v6;
	v4 =	vsel vm7, $0x32B37C0E, v4  }
0xb0: {  	v38 =	vshrl.u32 v6, $0x1A;
	v6 =	vshll.u32 v6, $0x6;
	v7 =	vsel vm4, $0x96411530, v7  }
0xb1: {  	v8 =	vsel vm0, $0xBB08E7A7, v8;
	v4 =	vsel vm2, $0x2456ED88, v4;
	v7 =	vsel vm5, $0x592854C2, v7  }
0xb2: {  	v6 =	vor.u32 v38, v6;
	v8 =	vsel vm4, $0x7F8648FC, v8;
	v7 =	vsel vm1, $0xEF05ED0F, v7  }
0xb3: {  	v4 =	vsel vm8, $0x50ABB3AA, v4;
	v8 =	vsel vm5, $0x8279B0A7, v8;
	v7 =	vsel vm6, $0x4DA2156F, v7  }
0xb4: {  	v6 =	vxor.u32 v5, v6;
	v8 =	vsel vm1, $0x49AC5E08, v8;
	v7 =	vsel vm7, $0x32B37C0C, v7  }
0xb5: {  	v4 =	vsel vm9, $0xC6F9D425, v4;
	v8 =	vsel vm6, $0x9C97FCE4, v8;
	v7 =	vsel vm2, $0x2456ED86, v7  }
0xb6: {  	v4 =	vsel vm10, $0xCDA1BEDD, v4;
	v8 =	vsel vm7, $0xFB4ECA4E, v8;
	v7 =	vsel vm8, $0x50ABB3A8, v7  }
0xb7: {  	v6 =	vadd.s32 v4, v6;
	v8 =	vsel vm2, $0x6448DD7B, v8;
	v7 =	vsel vm9, $0xC6F9D423, v7  }
0xb8: {  	v5 =	vadd.s32 v6, v5;
	v8 =	vsel vm8, $0xC3A9BDD5, v8;
	v7 =	vsel vm10, $0xCDA1BEDB, v7  }
0xb9: {  	v43 =	vshrl.u32 v6, $0xF;
	v8 =	vsel vm9, $0x7E0AC87B, v8;
	v7 =	vadd.s32 s5, v7  }
0xba: {  	v8 =	vsel vm10, $0x4D5D218A, v8;
	v10 =	vshrl.u32 v7, $0x13;
	v7 =	vshll.u32 v7, $0xD  }
0xbb: {  	v6 =	vshll.u32 v6, $0x11;
	v8 =	vadd.s32 s5, v8;
	v7 =	vor.u32 v10, v7  }
0xbc: {  	v5 =	vadd.s32 v9, v5;
	v6 =	vor.u32 v43, v6;
	v7 =	vxor.u32 v8, v7  }
0xbd: {  	v6 =	vxor.u32 v5, v6;
	v41 =	vshrl.u32 v7, $0x11;
	v11 =	vshll.u32 v7, $0xF  }
0xbe: {  	v5 =	vadd.s32 v5, v6;
	v7 =	vadd.s32 v8, v7;
	v42 =	vor.u32 v41, v11  }
0xbf: {  	v47 =	vshrl.u32 v6, $0x3;
	v6 =	vshll.u32 v6, $0x1D;
	v8 =	vxor.u32 v7, v42  }
0xc0: {  	v6 =	vor.u32 v47, v6;
	v44 =	vshrl.u32 v8, $0x6;
	v45 =	vshll.u32 v8, $0x1A  }
0xc1: {  	v6 =	vxor.u32 v5, v6;
	v7 =	vadd.s32 v7, v8;
	v46 =	vor.u32 v44, v45  }
0xc2: {  	v50 =	vshrl.u32 v6, $0x10;
	v51 =	vshll.u32 v6, $0x10;
	v8 =	vxor.u32 v7, v46  }
0xc3: {  	v5 =	vadd.s32 v5, v6;
	v48 =	vshrl.u32 v8, $0x1A;
	v12 =	vshll.u32 v8, $0x6  }
0xc4: {  	v52 =	vor.u32 v50, v51;
	v7 =	vadd.s32 v7, v8;
	v49 =	vor.u32 v48, v12  }
0xc5: {  	v50 =	vlaneseq.u32;
	v6 =	vxor.u32 v5, v52;
	v8 =	vxor.u32 v7, v49  }
0xc6: {  	v5 =	vadd.s32 v5, v6;
	v63 =	vshrl.u32 v6, $0x8;
	v2 =	vadd.s32 v2, v8  }
0xc7: {  	v7 =	vadd.s32 v2, v7;
	v8 =	vshrl.u32 v2, $0xF;
	v2 =	vshll.u32 v2, $0x11  }
0xc8: {  	v6 =	vshll.u32 v6, $0x18;
	v7 =	vadd.s32 v0, v7;
	v2 =	vor.u32 v8, v2  }
0xc9: {  	v52 =	vimm.s32 $0x0;
	v6 =	vor.u32 v63, v6;
	v2 =	vxor.u32 v7, v2  }
0xca: {  	v8 =	vsel vm14, $0xD260ABCC, v53;
	v54 =	vshrl.u32 v2, $0x3;
	v55 =	vshll.u32 v2, $0x1D  }
0xcb: {  	v8 =	vsel vm13, $0xA362419C, v8;
	v2 =	vadd.s32 v7, v2;
	v56 =	vor.u32 v54, v55  }
0xcc: {  	v63 =	vimm.s32 $0x3;
	v8 =	vsel vm11, $0xE23D676, v8;
	v7 =	vxor.u32 v2, v56  }
0xcd: {  	v8 =	vsel vm12, $0x8A7153FB, v8;
	v57 =	vshrl.u32 v7, $0x10;
	v58 =	vshll.u32 v7, $0x10  }
0xce: {  	v8 =	vsel vm3, $0x1E2FBE28, v8;
	v2 =	vadd.s32 v2, v7;
	v59 =	vor.u32 v57, v58  }
0xcf: {  	v6 =	vxor.u32 v5, v6;
	v8 =	vsel vm0, $0x59259C7E, v8;
	v7 =	vxor.u32 v2, v59  }
0xd0: {  	p0 =	slt.s32 s4, $0x10;
	v8 =	vsel vm4, $0x64D53D3D, v8;
	v60 =	vshrl.u32 v7, $0x8;
	v61 =	vshll.u32 v7, $0x18  }
0xd1: {  	s4 =	simm.s32 @!p0 $0x10;
	v8 =	vsel vm5, $0x6BA81502, v8;
	v2 =	vadd.s32 v2, v7;
	v62 =	vor.u32 v60, v61  }
0xd2: {  	v49 =	vmov s4;
	v8 =	vsel vm1, $0xAE728631, v8;
	v7 =	vxor.u32 v2, v62  }
0xd3: {  	v55 =	vimm.s32 $0x1;
	v8 =	vsel vm6, $0x1886E9C5, v8;
	v3 =	vadd.s32 v28, v7  }
0xd4: {  	v2 =	vadd.s32 v3, v2;
	v7 =	vshrl.u32 v3, $0x13;
	v3 =	vshll.u32 v3, $0xD  }
0xd5: {  	v12 =	vsel vm7, $0xE1F92997, v8;
	v2 =	vadd.s32 v1, v2;
	v3 =	vor.u32 v7, v3  }
0xd6: {  	v59 =	vimm.s32 $0x2;
	v7 =	vsel vm2, $0x7619AE, v12;
	v3 =	vxor.u32 v2, v3  }
0xd7: {  	v7 =	vsel vm8, $0x3984A254, v7;
	v13 =	vshrl.u32 v3, $0x11;
	v14 =	vshll.u32 v3, $0xF  }
0xd8: {  	v2 =	vadd.s32 v2, v3;
	v7 =	vsel vm9, $0x6A383BA4, v7;
	v15 =	vor.u32 v13, v14  }
0xd9: {  	v12 =	vimm.s32 $0x4;
	v7 =	vsel vm10, $0xA9CBC7B3, v7;
	v3 =	vxor.u32 v2, v15  }
0xda: {  	v6 =	vadd.s32 v7, v6;
	v16 =	vshrl.u32 v3, $0x6;
	v17 =	vshll.u32 v3, $0x1A  }
0xdb: {  	v2 =	vadd.s32 v2, v3;
	v5 =	vadd.s32 v6, v5;
	v18 =	vor.u32 v16, v17  }
0xdc: {  	v19 =	vshrl.u32 v6, $0x13;
	v6 =	vshll.u32 v6, $0xD;
	v3 =	vxor.u32 v2, v18  }
0xdd: {  	v5 =	vadd.s32 v0, v5;
	v20 =	vshrl.u32 v3, $0x1A;
	v21 =	vshll.u32 v3, $0x6  }
0xde: {  	v6 =	vor.u32 v19, v6;
	v2 =	vadd.s32 v2, v3;
	v22 =	vor.u32 v20, v21  }
0xdf: {  	v16 =	vimm.s32 $0x5;
	v6 =	vxor.u32 v5, v6;
	v3 =	vxor.u32 v2, v22  }
0xe0: {  	v5 =	vadd.s32 v5, v6;
	v23 =	vshrl.u32 v6, $0x11;
	v3 =	vadd.s32 v4, v3  }
0xe1: {  	v2 =	vadd.s32 v3, v2;
	v4 =	vshrl.u32 v3, $0xF;
	v3 =	vshll.u32 v3, $0x11  }
0xe2: {  	v6 =	vshll.u32 v6, $0xF;
	v2 =	vadd.s32 v9, v2;
	v3 =	vor.u32 v4, v3  }
0xe3: {  	v20 =	vimm.s32 $0x6;
	v4 =	vor.u32 v23, v6;
	v3 =	vxor.u32 v2, v3  }
0xe4: {  	v6 =	vsel vm14, $0x8C1266B1, v31;
	v24 =	vshrl.u32 v3, $0x3;
	v25 =	vshll.u32 v3, $0x1D  }
0xe5: {  	v4 =	vxor.u32 v5, v4;
	v2 =	vadd.s32 v2, v3;
	v26 =	vor.u32 v24, v25  }
0xe6: {  	v6 =	vsel vm13, $0xAA195168, v6;
	v5 =	vadd.s32 v5, v4;
	v3 =	vxor.u32 v2, v26  }
0xe7: {  	v27 =	vshrl.u32 v4, $0x6;
	v28 =	vshrl.u32 v3, $0x10;
	v29 =	vshll.u32 v3, $0x10  }
0xe8: {  	v4 =	vshll.u32 v4, $0x1A;
	v2 =	vadd.s32 v2, v3;
	v30 =	vor.u32 v28, v29  }
0xe9: {  	v6 =	vsel vm11, $0x7221891B, v6;
	v4 =	vor.u32 v27, v4;
	v3 =	vxor.u32 v2, v30  }
0xea: {  	v6 =	vsel vm12, $0x698F3D92, v6;
	v32 =	vshrl.u32 v3, $0x8;
	v33 =	vshll.u32 v3, $0x18  }
0xeb: {  	vm12 =	vgt.s32 v49, v50;
	v2 =	vadd.s32 v2, v3;
	v34 =	vor.u32 v32, v33  }
0xec: {  	v4 =	vxor.u32 v5, v4;
	v6 =	vsel vm3, $0xDFC7E591, v6;
	v3 =	vxor.u32 v2, v34  }
0xed: {  	v5 =	vadd.s32 v5, v4;
	v35 =	vshrl.u32 v4, $0x1A;
	v3 =	vadd.s32 v7, v3  }
0xee: {  	v2 =	vadd.s32 v3, v2;
	v7 =	vshrl.u32 v3, $0x13;
	v3 =	vshll.u32 v3, $0xD  }
0xef: {  	v38 =	vsel vm0, $0xBEFE3028, v6;
	v0 =	vadd.s32 v0, v2;
	v36 =	vor.u32 v7, v3  }
0xf0: {  	v37 =	vshll.u32 v4, $0x6;
	v4 =	vsel vm4, $0xE94533D1, v38;
	v2 =	vxor.u32 v0, v36  }
0xf1: {  	v4 =	vsel vm5, $0x29515BEA, v4;
	v39 =	vshrl.u32 v2, $0x11;
	v40 =	vshll.u32 v2, $0xF  }
0xf2: {  	v4 =	vsel vm1, $0x5AA670FE, v4;
	v0 =	vadd.s32 v0, v2;
	v41 =	vor.u32 v39, v40  }
0xf3: {  	v25 =	vimm.s32 $0x7;
	v4 =	vsel vm6, $0x4EF5E77A, v4;
	v2 =	vxor.u32 v0, v41  }
0xf4: {  	v4 =	vsel vm7, $0xC89B4E47, v4;
	v42 =	vshrl.u32 v2, $0x6;
	v43 =	vshll.u32 v2, $0x1A  }
0xf5: {  	v4 =	vsel vm2, $0x3FF1EFFA, v4;
	v0 =	vadd.s32 v0, v2;
	v44 =	vor.u32 v42, v43  }
0xf6: {  	v4 =	vsel vm8, $0x72FE0A32, v4;
	v3 =	vor.u32 v35, v37;
	v2 =	vxor.u32 v0, v44  }
0xf7: {  	v4 =	vsel vm9, $0xB710F45D, v4;
	v45 =	vshrl.u32 v2, $0x1A;
	v46 =	vshll.u32 v2, $0x6  }
0xf8: {  	v3 =	vxor.u32 v5, v3;
	v0 =	vadd.s32 v0, v2;
	v47 =	vor.u32 v45, v46  }
0xf9: {  	v5 =	vadd.s32 v1, v5;
	v4 =	vsel vm10, $0x7FBB62B4, v4;
	v2 =	vxor.u32 v0, v47  }
0xfa: {  	v3 =	vadd.s32 v4, v3;
	v0 =	vadd.s32 v1, v0;
	v48 =	vadd.s32 v4, v2  }
0xfb: {  	v49 =	vimm.s32 $0xD;
	v3 =	vxor.u32 v5, v3;
	v0 =	vxor.u32 v0, v48  }
0xfc: {  	v29 =	vimm.s32 $0x8;
	v51 =	vand.u32 $0x7FF, v3;
	v0 =	vand.u32 $0x7FF, v0  }
0xfd: {  	v33 =	vimm.s32 $0x9;
	v1 =	vnsel vm12, $0x0, v51;
	v0 =	vnsel vm12, $0x0, v0  }
0xfe: {  	v37 =	vimm.s32 $0xA;
	v2 =	vperm.xlane v1, v52;
	v53 =	vperm.xlane v0, v52  }
0xff: {  	v41 =	vimm.s32 $0xB;
	v45 =	vimm.s32 $0xC;
	v57 =	vperm.xlane v1, v55  }
0x100: {  	v61 =	vperm.xlane v1, v59;
	vm13 =	veq.s32 v1, v2;
	vm0 =	veq.s32 v1, v53  }
0x101: {  	vm15 =	veq.s32 v0, v2;
	vm14 =	veq.s32 v0, v53;
	v54 =	vsel vm0, v2, v1  }
0x102: {  	v56 =	vperm.xlane v0, v55;
	v2 =	vsel vm14, v2, v0;
	v4 =	vsel vm13, v53, v54  }
0x103: {  	v10 =	vperm.xlane v1, v63;
	v2 =	vsel vm15, v53, v2;
	v58 =	vperm.xlane v4, v55  }
0x104: {  	vm5 =	veq.s32 v1, v57;
	vm4 =	veq.s32 v1, v56;
	v5 =	vperm.xlane v2, v55  }
0x105: {  	vm7 =	veq.s32 v0, v57;
	vm6 =	veq.s32 v0, v56;
	v4 =	vsel vm4, v58, v4  }
0x106: {  	v60 =	vperm.xlane v0, v59;
	v2 =	vsel vm6, v58, v2;
	v4 =	vsel vm5, v5, v4  }
0x107: {  	v14 =	vperm.xlane v1, v12;
	v2 =	vsel vm7, v5, v2;
	v62 =	vperm.xlane v4, v59  }
0x108: {  	vm9 =	veq.s32 v1, v61;
	vm8 =	veq.s32 v1, v60;
	v6 =	vperm.xlane v2, v59  }
0x109: {  	vm11 =	veq.s32 v0, v61;
	vm10 =	veq.s32 v0, v60;
	v4 =	vsel vm8, v62, v4  }
0x10a: {  	v9 =	vperm.xlane v0, v63;
	v2 =	vsel vm10, v62, v2;
	v4 =	vsel vm9, v6, v4  }
0x10b: {  	v18 =	vperm.xlane v1, v16;
	v2 =	vsel vm11, v6, v2;
	v11 =	vperm.xlane v4, v63  }
0x10c: {  	v13 =	vperm.xlane v0, v12;
	vm12 =	veq.s32 v1, v9;
	v3 =	vperm.xlane v2, v63  }
0x10d: {  	vm14 =	veq.s32 v0, v9;
	vm13 =	veq.s32 v1, v10;
	v4 =	vsel vm12, v11, v4  }
0x10e: {  	vm15 =	veq.s32 v0, v10;
	v2 =	vsel vm14, v11, v2;
	v4 =	vsel vm13, v3, v4  }
0x10f: {  	v22 =	vperm.xlane v1, v20;
	v2 =	vsel vm15, v3, v2;
	v15 =	vperm.xlane v4, v12  }
0x110: {  	v17 =	vperm.xlane v0, v16;
	vm4 =	veq.s32 v1, v13;
	v5 =	vperm.xlane v2, v12  }
0x111: {  	vm6 =	veq.s32 v0, v13;
	vm5 =	veq.s32 v1, v14;
	v4 =	vsel vm4, v15, v4  }
0x112: {  	vm7 =	veq.s32 v0, v14;
	v2 =	vsel vm6, v15, v2;
	v4 =	vsel vm5, v5, v4  }
0x113: {  	v27 =	vperm.xlane v1, v25;
	v2 =	vsel vm7, v5, v2;
	v19 =	vperm.xlane v4, v16  }
0x114: {  	v21 =	vperm.xlane v0, v20;
	vm8 =	veq.s32 v1, v17;
	v6 =	vperm.xlane v2, v16  }
0x115: {  	vm10 =	veq.s32 v0, v17;
	vm9 =	veq.s32 v1, v18;
	v4 =	vsel vm8, v19, v4  }
0x116: {  	vm11 =	veq.s32 v0, v18;
	v2 =	vsel vm10, v19, v2;
	v4 =	vsel vm9, v6, v4  }
0x117: {  	v31 =	vperm.xlane v1, v29;
	v2 =	vsel vm11, v6, v2;
	v23 =	vperm.xlane v4, v20  }
0x118: {  	v26 =	vperm.xlane v0, v25;
	vm12 =	veq.s32 v1, v21;
	v24 =	vperm.xlane v2, v20  }
0x119: {  	vm14 =	veq.s32 v0, v21;
	vm13 =	veq.s32 v1, v22;
	v4 =	vsel vm12, v23, v4  }
0x11a: {  	vm15 =	veq.s32 v0, v22;
	v2 =	vsel vm14, v23, v2;
	v4 =	vsel vm13, v24, v4  }
0x11b: {  	v35 =	vperm.xlane v1, v33;
	v2 =	vsel vm15, v24, v2;
	v28 =	vperm.xlane v4, v25  }
0x11c: {  	v30 =	vperm.xlane v0, v29;
	vm4 =	veq.s32 v1, v26;
	v3 =	vperm.xlane v2, v25  }
0x11d: {  	vm6 =	veq.s32 v0, v26;
	vm5 =	veq.s32 v1, v27;
	v4 =	vsel vm4, v28, v4  }
0x11e: {  	vm7 =	veq.s32 v0, v27;
	v2 =	vsel vm6, v28, v2;
	v4 =	vsel vm5, v3, v4  }
0x11f: {  	v39 =	vperm.xlane v1, v37;
	v2 =	vsel vm7, v3, v2;
	v32 =	vperm.xlane v4, v29  }
0x120: {  	v34 =	vperm.xlane v0, v33;
	vm8 =	veq.s32 v1, v30;
	v5 =	vperm.xlane v2, v29  }
0x121: {  	vm10 =	veq.s32 v0, v30;
	vm9 =	veq.s32 v1, v31;
	v4 =	vsel vm8, v32, v4  }
0x122: {  	vm11 =	veq.s32 v0, v31;
	v2 =	vsel vm10, v32, v2;
	v4 =	vsel vm9, v5, v4  }
0x123: {  	v43 =	vperm.xlane v1, v41;
	v2 =	vsel vm11, v5, v2;
	v36 =	vperm.xlane v4, v33  }
0x124: {  	v38 =	vperm.xlane v0, v37;
	vm12 =	veq.s32 v1, v34;
	v6 =	vperm.xlane v2, v33  }
0x125: {  	vm14 =	veq.s32 v0, v34;
	vm13 =	veq.s32 v1, v35;
	v4 =	vsel vm12, v36, v4  }
0x126: {  	vm15 =	veq.s32 v0, v35;
	v2 =	vsel vm14, v36, v2;
	v4 =	vsel vm13, v6, v4  }
0x127: {  	v47 =	vperm.xlane v1, v45;
	v2 =	vsel vm15, v6, v2;
	v40 =	vperm.xlane v4, v37  }
0x128: {  	v42 =	vperm.xlane v0, v41;
	vm4 =	veq.s32 v1, v38;
	v3 =	vperm.xlane v2, v37  }
0x129: {  	vm6 =	veq.s32 v0, v38;
	vm5 =	veq.s32 v1, v39;
	v4 =	vsel vm4, v40, v4  }
0x12a: {  	vm7 =	veq.s32 v0, v39;
	v2 =	vsel vm6, v40, v2;
	v4 =	vsel vm5, v3, v4  }
0x12b: {  	v51 =	vperm.xlane v1, v49;
	v2 =	vsel vm7, v3, v2;
	v44 =	vperm.xlane v4, v41  }
0x12c: {  	v46 =	vperm.xlane v0, v45;
	vm8 =	veq.s32 v1, v42;
	v5 =	vperm.xlane v2, v41  }
0x12d: {  	vm10 =	veq.s32 v0, v42;
	vm9 =	veq.s32 v1, v43;
	v4 =	vsel vm8, v44, v4  }
0x12e: {  	vm11 =	veq.s32 v0, v43;
	v2 =	vsel vm10, v44, v2;
	v4 =	vsel vm9, v5, v4  }
0x12f: {  	v50 =	vperm.xlane v0, v49;
	v2 =	vsel vm11, v5, v2;
	v48 =	vperm.xlane v4, v45  }
0x130: {  	v54 =	vimm.s32 $0xE;
	vm12 =	veq.s32 v1, v46;
	v6 =	vperm.xlane v2, v45  }
0x131: {  	vm14 =	veq.s32 v0, v46;
	vm13 =	veq.s32 v1, v47;
	v4 =	vsel vm12, v48, v4  }
0x132: {  	vm15 =	veq.s32 v0, v47;
	v2 =	vsel vm14, v48, v2;
	v4 =	vsel vm13, v6, v4  }
0x133: {  	v55 =	vperm.xlane v0, v54;
	v2 =	vsel vm15, v6, v2;
	v52 =	vperm.xlane v4, v49  }
0x134: {  	v56 =	vperm.xlane v1, v54;
	vm4 =	veq.s32 v1, v50;
	v53 =	vperm.xlane v2, v49  }
0x135: {  	vm6 =	veq.s32 v0, v50;
	vm5 =	veq.s32 v1, v51;
	v4 =	vsel vm4, v52, v4  }
0x136: {  	vm7 =	veq.s32 v0, v51;
	v2 =	vsel vm6, v52, v2;
	v4 =	vsel vm5, v53, v4  }
0x137: {  	v58 =	vimm.s32 $0xF;
	v2 =	vsel vm7, v53, v2;
	v57 =	vperm.xlane v4, v54  }
0x138: {  	v59 =	vperm.xlane v0, v58;
	vm8 =	veq.s32 v1, v55;
	v3 =	vperm.xlane v2, v54  }
0x139: {  	vm10 =	veq.s32 v0, v55;
	vm9 =	veq.s32 v1, v56;
	v4 =	vsel vm8, v57, v4  }
0x13a: {  	vm11 =	veq.s32 v0, v56;
	v2 =	vsel vm10, v57, v2;
	v4 =	vsel vm9, v3, v4  }
0x13b: {  	v60 =	vperm.xlane v1, v58;
	v2 =	vsel vm11, v3, v2;
	v61 =	vperm.xlane v4, v58  }
0x13c: {  	vm12 =	veq.s32 v1, v59;
	v62 =	vperm.xlane v2, v58  }
0x13d: {  	vm14 =	veq.s32 v0, v59;
	vm13 =	veq.s32 v1, v60;
	v4 =	vsel vm12, v61, v4  }
0x13e: {  	vm15 =	veq.s32 v0, v60;
	v2 =	vsel vm14, v61, v2;
	v4 =	vsel vm13, v62, v4  }
0x13f: {  	s26 =	simm.s32 $0x1;
	v2 =	vsel vm15, v62, v2  }
0x140: {  	_ =	swait.ge [sflag:s26], $0x800  }
0x141: {  	[sflag:s26] =	ssyncset.done $0x0  }
0x142: {  	s28 =	simm.s32 $0x0;
	[sflag:s26] =	ssyncadd.s32 $0xFFFFF800  }
0x143: {  	v63 =	vld.idx.msk [tilespmem:v4+s28+$0x0], $0xffff  }
0x144: {  	v2 =	vld.idx.msk [tilespmem:v2+s28+$0x0], $0xffff;
	_ =	sdelay $0x3  }
0x145: {  	s2 =	sadd.s32 s2, s3;
	[tilespmem:v1+s28+$0x0] =	vst.idx.msk $0xffff, v63  }
0x146: {  	s29 =	simm.s32 $0x80;
	s30 =	simm.s32 $0x400;
	s31 =	simm.s32 $0x2;
	[tilespmem:v0+s28+$0x0] =	vst.idx.msk $0xffff, v2  }
0x147: {  	[hbm4b:s2+s29] =	stream.strided.scatter [tilespmem:s28], [sflag:$0x2], $0x800, s30, s29, $0x38;
	[tilespmem:$0x800] =	vst v63  }
0x148: {  	_ =	swait.ge [sflag:s31], $0x800  }
0x149: {  	[sflag:s31] =	ssyncset.done $0x0  }
0x14a: {  	[sflag:s31] =	ssyncadd.s32 $0xFFFFF800  }
0x14b: {  	_ =	sfence.sel $0x180000  }
0x14c: {  	[bflag:$0x0] =	sbarrier.arrive $0xFFFF  }
0x14d: {  	p0 =	sne.s32 s0, $0x0;
	_ =	strace $0x90000047  }
0x14e: {  	s0 =	sadd.s32 @!p0 $0x100000, s1;
	[bflag:$0x2] =	sbarrier.arrive $0xFFFF  }
0x14f: {  	[sflag:s0] =	ssyncadd.tile.s32 @!p0 $0x1;
	_ =	shalt  }
.Lfunc_end2:
_tile_overlayer_lowered:
.L_overlay_start_2:
0x150: {  	(tag) =	ssettag $0x2  }
0x151: {  	s0 =	rddreg [dreg:$0x0];
	s2 =	stileid.u32  }
0x152: {  	s1 =	rddreg [dreg:$0x1];
	p0 =	sne.s32 s2, $0x0  }
0x153: {  	s3 =	rddreg [dreg:$0x2];
	[bflag:$0x3] =	sbarrier.arrive $0xFFFF;
	s2 =	simm.s32 @!p0 $0x1C02  }
0x154: {  	[timem:s3], [sflag:s2] =	dma.local @!p0 [hbm:s0], s1  }
0x155: {  	s0 =	simm.s32 @!p0 $0x2  }
0x156: {  	_ =	swait.ge @!p0 [sflag:s0], s1  }
0x157: {  	s1 =	ssub.s32 @!p0 $0x0, s1;
	[sflag:s0] =	ssyncset.done @!p0 $0x0  }
0x158: {  	[sflag:s0] =	ssyncadd.s32 @!p0 s1  }
0x159: {  	[bflag:$0x3] =	sbarrier.arrive $0xFFFF  }
0x15a: {  	_ =	shalt  }

</sc_bundles>
